<compile_context>
chip_gen: v7x
topology: tpu7x:2x2x1
jax: 0.10.2.dev20260603
libtpu: 0.0.44.dev20260713+nightly
codegen_flags: <defaults>
</compile_context>

<pallas_src>
import functools

import jax
import jax.numpy as jnp
from jax import lax
from jax.experimental import pallas as pl
from jax.experimental.pallas import tpu as pltpu
from jax.experimental.pallas import tpu_sc as plsc

_L = 16


def _deg_partials_call(dst, n_pad, num_workers, nc):
    e_total = dst.shape[0]
    e_per_w = e_total // num_workers
    mesh = plsc.VectorSubcoreMesh(core_axis_name="c", subcore_axis_name="s")

    @functools.partial(
        pl.kernel,
        mesh=mesh,
        out_type=jax.ShapeDtypeStruct((num_workers, n_pad), jnp.float32),
        scratch_types=[
            pltpu.VMEM((e_per_w,), jnp.int32),
            pltpu.VMEM((n_pad,), jnp.float32),
        ],
        compiler_params=pltpu.CompilerParams(needs_layout_passes=False),
    )
    def deg_kernel(dst_hbm, out_hbm, idx_v, bins_v):
        wid = lax.axis_index("s") * nc + lax.axis_index("c")
        base = wid * e_per_w
        pltpu.sync_copy(dst_hbm.at[pl.ds(base, e_per_w)], idx_v)

        zeros = jnp.zeros((_L,), jnp.float32)
        ones = jnp.ones((_L,), jnp.float32)

        @plsc.parallel_loop(0, n_pad // _L, unroll=8)
        def _zero(i):
            bins_v[pl.ds(pl.multiple_of(i * _L, _L), _L)] = zeros

        @plsc.parallel_loop(0, e_per_w // _L, unroll=8)
        def _scat(i):
            idx = idx_v[pl.ds(pl.multiple_of(i * _L, _L), _L)]
            plsc.addupdate_scatter(bins_v, [idx], ones)
        pltpu.sync_copy(bins_v, out_hbm.at[wid])

    return deg_kernel(dst)


def _dinv_call(deg_partials):

    def body(p_ref, o_ref):
        deg = 1.0 + jnp.sum(p_ref[...], axis=0, keepdims=True)
        o_ref[...] = 1.0 / jnp.sqrt(deg)

    n_pad = deg_partials.shape[1]
    return pl.pallas_call(
        body,
        out_shape=jax.ShapeDtypeStruct((1, n_pad), jnp.float32),
    )(deg_partials)


def _w_partials_call(src, dst, dinv, n_pad, num_workers, nc):
    e_total = src.shape[0]
    e_per_w = e_total // num_workers
    mesh = plsc.VectorSubcoreMesh(core_axis_name="c", subcore_axis_name="s")

    @functools.partial(
        pl.kernel,
        mesh=mesh,
        out_type=jax.ShapeDtypeStruct((num_workers, n_pad), jnp.float32),
        scratch_types=[
            pltpu.VMEM((e_per_w,), jnp.int32),
            pltpu.VMEM((e_per_w,), jnp.int32),
            pltpu.VMEM((n_pad,), jnp.float32),
            pltpu.VMEM((n_pad,), jnp.float32),
        ],
        compiler_params=pltpu.CompilerParams(needs_layout_passes=False),
    )
    def w_kernel(src_hbm, dst_hbm, dinv_hbm, out_hbm, src_v, dst_v, dinv_v, bins_v):
        wid = lax.axis_index("s") * nc + lax.axis_index("c")
        base = wid * e_per_w
        pltpu.sync_copy(src_hbm.at[pl.ds(base, e_per_w)], src_v)
        pltpu.sync_copy(dst_hbm.at[pl.ds(base, e_per_w)], dst_v)
        pltpu.sync_copy(dinv_hbm, dinv_v)

        is_w0 = wid == 0
        zeros = jnp.zeros((_L,), jnp.float32)

        @plsc.parallel_loop(0, n_pad // _L, unroll=8)
        def _init(i):
            sl = pl.ds(pl.multiple_of(i * _L, _L), _L)
            dv = dinv_v[sl]
            bins_v[sl] = jnp.where(is_w0, dv * dv, zeros)

        @plsc.parallel_loop(0, e_per_w // _L, unroll=8)
        def _scat(i):
            sl = pl.ds(pl.multiple_of(i * _L, _L), _L)
            s = src_v[sl]
            d = dst_v[sl]
            a = plsc.load_gather(dinv_v, [s])
            b = plsc.load_gather(dinv_v, [d])
            plsc.addupdate_scatter(bins_v, [s], a * b)
        pltpu.sync_copy(bins_v, out_hbm.at[wid])

    return w_kernel(src, dst, dinv.reshape(-1))


def _pool_lstm_call(xr, w_partials, W_gcn, b_gcn, W_ihT, W_hhT, b_ih, b_hh,
                    W_clsT, b_cls, Bsz, Tlen):
    BT, Nn, Fin = xr.shape
    H = W_hhT.shape[0]
    O = W_clsT.shape[1]
    num_w = w_partials.shape[0]
    CN = 1000
    grid = Nn // CN
    inv_n = 1.0 / Nn
    wp3 = w_partials[:, :Nn].reshape(num_w, grid, 1, CN)

    def body(x_ref, wp_ref, wg_ref, bg_ref, wih_ref, whh_ref, bih_ref,
             bhh_ref, wcls_ref, bcls_ref, o_ref, acc_ref):
        i = pl.program_id(0)

        @pl.when(i == 0)
        def _():
            acc_ref[...] = jnp.zeros_like(acc_ref)

        w_chunk = jnp.sum(wp_ref[..., 0, :], axis=0)
        x = x_ref[...]
        BTl, CNl, Fl = x.shape
        xl = jnp.dot(x.reshape(BTl * CNl, Fl), wg_ref[...],
                     preferred_element_type=jnp.float32)
        xl = xl.reshape(BTl, CNl, xl.shape[-1])
        acc_ref[...] += jnp.sum(xl * w_chunk[:, :, None], axis=1)

        @pl.when(i == grid - 1)
        def _():
            pooled = acc_ref[...] * inv_n + bg_ref[...]
            h = jnp.zeros((Bsz, H), jnp.float32)
            c = jnp.zeros((Bsz, H), jnp.float32)
            b_gates = bih_ref[...] + bhh_ref[...]
            for t in range(Tlen):
                xt = jnp.concatenate(
                    [pooled[b * Tlen + t:b * Tlen + t + 1] for b in range(Bsz)],
                    axis=0)
                gates = (jnp.dot(xt, wih_ref[...],
                                 preferred_element_type=jnp.float32)
                         + jnp.dot(h, whh_ref[...],
                                   preferred_element_type=jnp.float32)
                         + b_gates)
                i_g = jax.nn.sigmoid(gates[:, 0:H])
                f_g = jax.nn.sigmoid(gates[:, H:2 * H])
                g_g = jnp.tanh(gates[:, 2 * H:3 * H])
                o_g = jax.nn.sigmoid(gates[:, 3 * H:4 * H])
                c = f_g * c + i_g * g_g
                h = o_g * jnp.tanh(c)
            o_ref[...] = jnp.dot(h, wcls_ref[...],
                                 preferred_element_type=jnp.float32) + bcls_ref[...]

    full = lambda shape: pl.BlockSpec(shape, lambda i: tuple(0 for _ in shape))
    return pl.pallas_call(
        body,
        grid=(grid,),
        in_specs=[
            pl.BlockSpec((BT, CN, Fin), lambda i: (0, i, 0)),
            pl.BlockSpec((num_w, 1, 1, CN), lambda i: (0, i, 0, 0)),
            full(W_gcn.shape),
            full(b_gcn.shape),
            full(W_ihT.shape),
            full(W_hhT.shape),
            full(b_ih.shape),
            full(b_hh.shape),
            full(W_clsT.shape),
            full(b_cls.shape),
        ],
        out_specs=pl.BlockSpec((Bsz, O), lambda i: (0, 0)),
        out_shape=jax.ShapeDtypeStruct((Bsz, O), jnp.float32),
        scratch_shapes=[pltpu.VMEM((BT, Fin), jnp.float32)],
        compiler_params=pltpu.CompilerParams(
            dimension_semantics=("arbitrary",)),
    )(xr, wp3, W_gcn, b_gcn, W_ihT, W_hhT, b_ih, b_hh, W_clsT, b_cls)


def kernel(x_seq, edge_index, W_gcn, b_gcn, W_ih, W_hh, b_ih, b_hh, W_cls, b_cls):
    Bsz, Tlen, Nn, Fin = x_seq.shape
    info = plsc.get_sparse_core_info()
    nc, ns = info.num_cores, info.num_subcores
    num_workers = nc * ns

    n_pad = ((Nn + 127) // 128) * 128
    src = edge_index[0]
    dst = edge_index[1]

    deg_partials = _deg_partials_call(dst, n_pad, num_workers, nc)
    dinv = _dinv_call(deg_partials)
    w_partials = _w_partials_call(src, dst, dinv, n_pad, num_workers, nc)

    xr = x_seq.reshape(Bsz * Tlen, Nn, Fin)
    logits = _pool_lstm_call(
        xr, w_partials, W_gcn, b_gcn.reshape(1, -1), W_ih.T, W_hh.T,
        b_ih.reshape(1, -1), b_hh.reshape(1, -1), W_cls.T,
        b_cls.reshape(1, -1), Bsz, Tlen)
    return logits

# --- scband reference (transcript-rebuilt; emitter-appended) ---
"""Pipeline reference for scband-tgcnclassifier-2619930050603 (READ-ONLY COPY).

The authoritative reference and input builder live on the scoring server;
editing this copy changes nothing except your own understanding.
"""

import jax, jax.numpy as jnp
import numpy as np

N = 10000
E = 320000
F = 128
H = 128
O = 16
B = 2
T = 8


def setup_inputs(seed: int = 0) -> dict:
    key = jax.random.key(seed)
    ks = jax.random.split(key, 8)
    x_seq = jax.random.normal(ks[0], (B, T, N, F), dtype=jnp.float32)
    edge_index = jax.random.randint(ks[1], (2, E), 0, N, dtype=jnp.int32)
    W_gcn = jax.random.normal(ks[2], (F, H), dtype=jnp.float32) * (1.0 / np.sqrt(F))
    b_gcn = jnp.zeros((H,), dtype=jnp.float32)
    W_ih = jax.random.normal(ks[3], (4 * H, H), dtype=jnp.float32) * (1.0 / np.sqrt(H))
    W_hh = jax.random.normal(ks[4], (4 * H, H), dtype=jnp.float32) * (1.0 / np.sqrt(H))
    b_ih = jnp.zeros((4 * H,), dtype=jnp.float32)
    b_hh = jnp.zeros((4 * H,), dtype=jnp.float32)
    W_cls = jax.random.normal(ks[5], (O, H), dtype=jnp.float32) * (1.0 / np.sqrt(H))
    b_cls = jnp.zeros((O,), dtype=jnp.float32)
    return {"x_seq": x_seq, "edge_index": edge_index, "W_gcn": W_gcn, "b_gcn": b_gcn,
            "W_ih": W_ih, "W_hh": W_hh, "b_ih": b_ih, "b_hh": b_hh,
            "W_cls": W_cls, "b_cls": b_cls}


def reference(x_seq, edge_index, W_gcn, b_gcn, W_ih, W_hh, b_ih, b_hh, W_cls, b_cls):
    Bsz, Tlen, Nn, Fin = x_seq.shape
    Hh = W_hh.shape[1]
    # --- GCNConv normalization (add self-loops, symmetric norm), matches PyG GCNConv ---
    src0, dst0 = edge_index[0], edge_index[1]
    loop = jnp.arange(Nn, dtype=src0.dtype)
    src = jnp.concatenate([src0, loop])
    dst = jnp.concatenate([dst0, loop])
    deg = jax.ops.segment_sum(jnp.ones_like(dst, dtype=x_seq.dtype), dst, num_segments=Nn)
    deg_safe = jnp.where(deg > 0, deg, 1.0)
    dinv = jnp.where(deg > 0, 1.0 / jnp.sqrt(deg_safe), 0.0)
    norm = dinv[src] * dinv[dst]

    def gcn_one(x):
        xl = x @ W_gcn
        msg = xl[src] * norm[:, None]
        agg = jax.ops.segment_sum(msg, dst, num_segments=Nn)
        return agg + b_gcn

    xf = x_seq.reshape(Bsz * Tlen, Nn, Fin)
    g = jax.vmap(gcn_one)(xf)                 # [B*T, N, H]
    pooled = jnp.mean(g, axis=1).reshape(Bsz, Tlen, Hh)  # mean over nodes

    # --- single-layer LSTM (PyTorch gate order i,f,g,o), batch_first ---
    h0 = jnp.zeros((Bsz, Hh), dtype=x_seq.dtype)
    c0 = jnp.zeros((Bsz, Hh), dtype=x_seq.dtype)

    def step(carry, xt):
        h, c = carry
        gates = xt @ W_ih.T + b_ih + h @ W_hh.T + b_hh
        i, f, gg, o = jnp.split(gates, 4, axis=-1)
        i = jax.nn.sigmoid(i)
        f = jax.nn.sigmoid(f)
        gg = jnp.tanh(gg)
        o = jax.nn.sigmoid(o)
        c = f * c + i * gg
        h = o * jnp.tanh(c)
        return (h, c), h

    (h_last, _), _ = jax.lax.scan(step, (h0, c0), pooled.transpose(1, 0, 2))
    # dropout in eval mode -> identity
    logits = h_last @ W_cls.T + b_cls
    return logits

if __name__ == "__main__":
    import jax
    _d = setup_inputs()
    print(jax.jit(kernel)(*tuple(_d.values())))

</pallas_src>

<mosaic_0001>
#map = affine_map<(d0, d1) -> (0)>
#map1 = affine_map<(d0, d1) -> (0, 0)>
module attributes {stable_mosaic.version = 14 : i64} {
  func.func @w_kernel(%arg0: i32, %arg1: i32, %arg2: memref<320000xi32, #tpu.memory_space<hbm>>, %arg3: memref<320000xi32, #tpu.memory_space<hbm>>, %arg4: memref<10112xf32, #tpu.memory_space<hbm>>, %arg5: memref<32x10112xf32, #tpu.memory_space<hbm>>, %arg6: memref<10000xi32, #tpu.memory_space<vmem>>, %arg7: memref<10000xi32, #tpu.memory_space<vmem>>, %arg8: memref<10112xf32, #tpu.memory_space<vmem>>, %arg9: memref<10112xf32, #tpu.memory_space<vmem>>) attributes {dimension_semantics = [#tpu.dimension_semantics<core_parallel>, #tpu.dimension_semantics<subcore_parallel>], iteration_bounds = array<i64: 2, 16>, scalar_prefetch = 0 : i64, scratch_operands = 4 : i64, tpu.core_type = #tpu.core_type<sc_vector_subcore>, window_params = [{transform_indices = #map}, {transform_indices = #map}, {transform_indices = #map}, {transform_indices = #map1}]} {
    %mul3A = arith.constant 2 : i32
    %mul3A_0 = arith.muli %arg1, %mul3A : i32
    %add3A = arith.addi %mul3A_0, %arg0 : i32
    %mul3A_1 = arith.constant 10000 : i32
    %mul3A_2 = arith.muli %add3A, %mul3A_1 : i32
    "tpu.region"() ({
      %run_scoped3A = tpu.sem_alloc : memref<!tpu.dma_semaphore, #tpu.memory_space<semaphore_mem>>
      %dma_start3A = tpu.memref_slice %arg2[%mul3A_2] : memref<320000xi32, #tpu.memory_space<hbm>> -> memref<10000xi32, #tpu.memory_space<hbm>>
      %dma_start3A_10 = tpu.memref_slice %arg2[%mul3A_2] : memref<320000xi32, #tpu.memory_space<hbm>> -> memref<10000xi32, #tpu.memory_space<hbm>>
      tpu.enqueue_dma source(%dma_start3A_10 : memref<10000xi32, #tpu.memory_space<hbm>>) target(%arg6 : memref<10000xi32, #tpu.memory_space<vmem>>) target_semaphore(%run_scoped3A : memref<!tpu.dma_semaphore, #tpu.memory_space<semaphore_mem>>)
      %dma_wait3A = tpu.memref_slice %arg2[%mul3A_2] : memref<320000xi32, #tpu.memory_space<hbm>> -> memref<10000xi32, #tpu.memory_space<hbm>>
      %dma_wait3A_11 = tpu.memref_slice %arg2[%mul3A_2] : memref<320000xi32, #tpu.memory_space<hbm>> -> memref<10000xi32, #tpu.memory_space<hbm>>
      tpu.wait_dma2 semaphore(%run_scoped3A : memref<!tpu.dma_semaphore, #tpu.memory_space<semaphore_mem>>) src(%dma_wait3A_11 : memref<10000xi32, #tpu.memory_space<hbm>>) dst(%arg6 : memref<10000xi32, #tpu.memory_space<vmem>>)
      tpu.yield
    }) : () -> ()
    "tpu.region"() ({
      %run_scoped3A = tpu.sem_alloc : memref<!tpu.dma_semaphore, #tpu.memory_space<semaphore_mem>>
      %dma_start3A = tpu.memref_slice %arg3[%mul3A_2] : memref<320000xi32, #tpu.memory_space<hbm>> -> memref<10000xi32, #tpu.memory_space<hbm>>
      %dma_start3A_10 = tpu.memref_slice %arg3[%mul3A_2] : memref<320000xi32, #tpu.memory_space<hbm>> -> memref<10000xi32, #tpu.memory_space<hbm>>
      tpu.enqueue_dma source(%dma_start3A_10 : memref<10000xi32, #tpu.memory_space<hbm>>) target(%arg7 : memref<10000xi32, #tpu.memory_space<vmem>>) target_semaphore(%run_scoped3A : memref<!tpu.dma_semaphore, #tpu.memory_space<semaphore_mem>>)
      %dma_wait3A = tpu.memref_slice %arg3[%mul3A_2] : memref<320000xi32, #tpu.memory_space<hbm>> -> memref<10000xi32, #tpu.memory_space<hbm>>
      %dma_wait3A_11 = tpu.memref_slice %arg3[%mul3A_2] : memref<320000xi32, #tpu.memory_space<hbm>> -> memref<10000xi32, #tpu.memory_space<hbm>>
      tpu.wait_dma2 semaphore(%run_scoped3A : memref<!tpu.dma_semaphore, #tpu.memory_space<semaphore_mem>>) src(%dma_wait3A_11 : memref<10000xi32, #tpu.memory_space<hbm>>) dst(%arg7 : memref<10000xi32, #tpu.memory_space<vmem>>)
      tpu.yield
    }) : () -> ()
    "tpu.region"() ({
      %run_scoped3A = tpu.sem_alloc : memref<!tpu.dma_semaphore, #tpu.memory_space<semaphore_mem>>
      tpu.enqueue_dma source(%arg4 : memref<10112xf32, #tpu.memory_space<hbm>>) target(%arg8 : memref<10112xf32, #tpu.memory_space<vmem>>) target_semaphore(%run_scoped3A : memref<!tpu.dma_semaphore, #tpu.memory_space<semaphore_mem>>)
      tpu.wait_dma2 semaphore(%run_scoped3A : memref<!tpu.dma_semaphore, #tpu.memory_space<semaphore_mem>>) src(%arg4 : memref<10112xf32, #tpu.memory_space<hbm>>) dst(%arg8 : memref<10112xf32, #tpu.memory_space<vmem>>)
      tpu.yield
    }) : () -> ()
    %eq3A = arith.constant 0 : i32
    %eq3A_3 = arith.cmpi eq, %add3A, %eq3A : i32
    %broadcast_in_dim3A = arith.constant 0.000000e+00 : f32
    %broadcast_in_dim3A_4 = vector.broadcast %broadcast_in_dim3A : f32 to vector<16xf32>
    %parallel_loop3A = arith.constant 0 : i32
    %parallel_loop3A_5 = arith.constant 632 : i32
    %parallel_loop3A_6 = arith.constant 1 : i32
    scf.for %parallel_loop3A_10 = %parallel_loop3A to %parallel_loop3A_5 step %parallel_loop3A_6  : i32 {
      %parallel_loop3A_11 = arith.constant 16 : i32
      %parallel_loop3A_12 = arith.muli %parallel_loop3A_10, %parallel_loop3A_11 : i32
      %parallel_loop3A_13 = tpu.assume_multiple %parallel_loop3A_12, 16 : i32
      %parallel_loop3A_14 = arith.index_cast %parallel_loop3A_13 : i32 to index
      %parallel_loop3A_15 = tpu.vector_load %arg8[%parallel_loop3A_14] {strides = array<i32>} : memref<10112xf32, #tpu.memory_space<vmem>>, vector<16xf32>,
      %parallel_loop3A_16 = arith.mulf %parallel_loop3A_15, %parallel_loop3A_15 : vector<16xf32>
      %parallel_loop3A_17 = arith.select %eq3A_3, %parallel_loop3A_16, %broadcast_in_dim3A_4 : vector<16xf32>
      %parallel_loop3A_18 = arith.index_cast %parallel_loop3A_13 : i32 to index
      %parallel_loop3A_19 = tpu.vector_load %arg9[%parallel_loop3A_18] {strides = array<i32>} : memref<10112xf32, #tpu.memory_space<vmem>>, vector<16xf32>,
      tpu.vector_store %arg9[%parallel_loop3A_18], %parallel_loop3A_17 {strides = array<i32>} : memref<10112xf32, #tpu.memory_space<vmem>>, vector<16xf32>,
    } {sc.loop_unroll_factor = 8 : i64, sc.parallel_access}
    %parallel_loop3A_7 = arith.constant 0 : i32
    %parallel_loop3A_8 = arith.constant 625 : i32
    %parallel_loop3A_9 = arith.constant 1 : i32
    scf.for %parallel_loop3A_10 = %parallel_loop3A_7 to %parallel_loop3A_8 step %parallel_loop3A_9  : i32 {
      %parallel_loop3A_11 = arith.constant 16 : i32
      %parallel_loop3A_12 = arith.muli %parallel_loop3A_10, %parallel_loop3A_11 : i32
      %parallel_loop3A_13 = tpu.assume_multiple %parallel_loop3A_12, 16 : i32
      %parallel_loop3A_14 = arith.index_cast %parallel_loop3A_13 : i32 to index
      %parallel_loop3A_15 = tpu.vector_load %arg6[%parallel_loop3A_14] {strides = array<i32>} : memref<10000xi32, #tpu.memory_space<vmem>>, vector<16xi32>,
      %parallel_loop3A_16 = arith.index_cast %parallel_loop3A_13 : i32 to index
      %parallel_loop3A_17 = tpu.vector_load %arg7[%parallel_loop3A_16] {strides = array<i32>} : memref<10000xi32, #tpu.memory_space<vmem>>, vector<16xi32>,
      %parallel_loop3A_18 = tpu.vector_load_idx %arg8[%parallel_loop3A_15] : memref<10112xf32, #tpu.memory_space<vmem>>[vector<16xi32>], vector<16xf32>,
      %parallel_loop3A_19 = tpu.vector_load_idx %arg8[%parallel_loop3A_17] : memref<10112xf32, #tpu.memory_space<vmem>>[vector<16xi32>], vector<16xf32>,
      %parallel_loop3A_20 = arith.mulf %parallel_loop3A_18, %parallel_loop3A_19 : vector<16xf32>
      tpu.vector_store_idx %arg9[%parallel_loop3A_15], %parallel_loop3A_20 {add = true} : memref<10112xf32, #tpu.memory_space<vmem>>[vector<16xi32>], vector<16xf32>,
    } {sc.loop_unroll_factor = 8 : i64, sc.parallel_access}
    "tpu.region"() ({
      %run_scoped3A = tpu.sem_alloc : memref<!tpu.dma_semaphore, #tpu.memory_space<semaphore_mem>>
      %dma_start3A = arith.constant 0 : i32
      %dma_start3A_10 = tpu.memref_slice %arg5[%add3A, %dma_start3A] : memref<32x10112xf32, #tpu.memory_space<hbm>> -> memref<1x10112xf32, #tpu.memory_space<hbm>>
      %dma_start3A_11 = tpu.memref_squeeze %dma_start3A_10 : memref<1x10112xf32, #tpu.memory_space<hbm>> -> memref<10112xf32, #tpu.memory_space<hbm>>
      %dma_start3A_12 = arith.constant 0 : i32
      %dma_start3A_13 = tpu.memref_slice %arg5[%add3A, %dma_start3A_12] : memref<32x10112xf32, #tpu.memory_space<hbm>> -> memref<1x10112xf32, #tpu.memory_space<hbm>>
      %dma_start3A_14 = tpu.memref_squeeze %dma_start3A_13 : memref<1x10112xf32, #tpu.memory_space<hbm>> -> memref<10112xf32, #tpu.memory_space<hbm>>
      tpu.enqueue_dma source(%arg9 : memref<10112xf32, #tpu.memory_space<vmem>>) target(%dma_start3A_14 : memref<10112xf32, #tpu.memory_space<hbm>>) target_semaphore(%run_scoped3A : memref<!tpu.dma_semaphore, #tpu.memory_space<semaphore_mem>>)
      %dma_wait3A = arith.constant 0 : i32
      %dma_wait3A_15 = tpu.memref_slice %arg5[%add3A, %dma_wait3A] : memref<32x10112xf32, #tpu.memory_space<hbm>> -> memref<1x10112xf32, #tpu.memory_space<hbm>>
      %dma_wait3A_16 = tpu.memref_squeeze %dma_wait3A_15 : memref<1x10112xf32, #tpu.memory_space<hbm>> -> memref<10112xf32, #tpu.memory_space<hbm>>
      %dma_wait3A_17 = arith.constant 0 : i32
      %dma_wait3A_18 = tpu.memref_slice %arg5[%add3A, %dma_wait3A_17] : memref<32x10112xf32, #tpu.memory_space<hbm>> -> memref<1x10112xf32, #tpu.memory_space<hbm>>
      %dma_wait3A_19 = tpu.memref_squeeze %dma_wait3A_18 : memref<1x10112xf32, #tpu.memory_space<hbm>> -> memref<10112xf32, #tpu.memory_space<hbm>>
      tpu.wait_dma2 semaphore(%run_scoped3A : memref<!tpu.dma_semaphore, #tpu.memory_space<semaphore_mem>>) src(%arg9 : memref<10112xf32, #tpu.memory_space<vmem>>) dst(%dma_wait3A_19 : memref<10112xf32, #tpu.memory_space<hbm>>)
      tpu.yield
    }) : () -> ()
    return
  }
}

#map = affine_map<(d0, d1) -> (0)>
#map1 = affine_map<(d0, d1) -> (0, 0)>
module attributes {stable_mosaic.version = 14 : i64} {
  func.func @deg_kernel(%arg0: i32, %arg1: i32, %arg2: memref<320000xi32, #tpu.memory_space<hbm>>, %arg3: memref<32x10112xf32, #tpu.memory_space<hbm>>, %arg4: memref<10000xi32, #tpu.memory_space<vmem>>, %arg5: memref<10112xf32, #tpu.memory_space<vmem>>) attributes {dimension_semantics = [#tpu.dimension_semantics<core_parallel>, #tpu.dimension_semantics<subcore_parallel>], iteration_bounds = array<i64: 2, 16>, scalar_prefetch = 0 : i64, scratch_operands = 2 : i64, tpu.core_type = #tpu.core_type<sc_vector_subcore>, window_params = [{transform_indices = #map}, {transform_indices = #map1}]} {
    %mul3A = arith.constant 2 : i32
    %mul3A_0 = arith.muli %arg1, %mul3A : i32
    %add3A = arith.addi %mul3A_0, %arg0 : i32
    %mul3A_1 = arith.constant 10000 : i32
    %mul3A_2 = arith.muli %add3A, %mul3A_1 : i32
    "tpu.region"() ({
      %run_scoped3A = tpu.sem_alloc : memref<!tpu.dma_semaphore, #tpu.memory_space<semaphore_mem>>
      %dma_start3A = tpu.memref_slice %arg2[%mul3A_2] : memref<320000xi32, #tpu.memory_space<hbm>> -> memref<10000xi32, #tpu.memory_space<hbm>>
      %dma_start3A_11 = tpu.memref_slice %arg2[%mul3A_2] : memref<320000xi32, #tpu.memory_space<hbm>> -> memref<10000xi32, #tpu.memory_space<hbm>>
      tpu.enqueue_dma source(%dma_start3A_11 : memref<10000xi32, #tpu.memory_space<hbm>>) target(%arg4 : memref<10000xi32, #tpu.memory_space<vmem>>) target_semaphore(%run_scoped3A : memref<!tpu.dma_semaphore, #tpu.memory_space<semaphore_mem>>)
      %dma_wait3A = tpu.memref_slice %arg2[%mul3A_2] : memref<320000xi32, #tpu.memory_space<hbm>> -> memref<10000xi32, #tpu.memory_space<hbm>>
      %dma_wait3A_12 = tpu.memref_slice %arg2[%mul3A_2] : memref<320000xi32, #tpu.memory_space<hbm>> -> memref<10000xi32, #tpu.memory_space<hbm>>
      tpu.wait_dma2 semaphore(%run_scoped3A : memref<!tpu.dma_semaphore, #tpu.memory_space<semaphore_mem>>) src(%dma_wait3A_12 : memref<10000xi32, #tpu.memory_space<hbm>>) dst(%arg4 : memref<10000xi32, #tpu.memory_space<vmem>>)
      tpu.yield
    }) : () -> ()
    %broadcast_in_dim3A = arith.constant 0.000000e+00 : f32
    %broadcast_in_dim3A_3 = vector.broadcast %broadcast_in_dim3A : f32 to vector<16xf32>
    %broadcast_in_dim3A_4 = arith.constant 1.000000e+00 : f32
    %broadcast_in_dim3A_5 = vector.broadcast %broadcast_in_dim3A_4 : f32 to vector<16xf32>
    %parallel_loop3A = arith.constant 0 : i32
    %parallel_loop3A_6 = arith.constant 632 : i32
    %parallel_loop3A_7 = arith.constant 1 : i32
    scf.for %parallel_loop3A_11 = %parallel_loop3A to %parallel_loop3A_6 step %parallel_loop3A_7  : i32 {
      %parallel_loop3A_12 = arith.constant 16 : i32
      %parallel_loop3A_13 = arith.muli %parallel_loop3A_11, %parallel_loop3A_12 : i32
      %parallel_loop3A_14 = tpu.assume_multiple %parallel_loop3A_13, 16 : i32
      %parallel_loop3A_15 = arith.index_cast %parallel_loop3A_14 : i32 to index
      %parallel_loop3A_16 = tpu.vector_load %arg5[%parallel_loop3A_15] {strides = array<i32>} : memref<10112xf32, #tpu.memory_space<vmem>>, vector<16xf32>,
      tpu.vector_store %arg5[%parallel_loop3A_15], %broadcast_in_dim3A_3 {strides = array<i32>} : memref<10112xf32, #tpu.memory_space<vmem>>, vector<16xf32>,
    } {sc.loop_unroll_factor = 8 : i64, sc.parallel_access}
    %parallel_loop3A_8 = arith.constant 0 : i32
    %parallel_loop3A_9 = arith.constant 625 : i32
    %parallel_loop3A_10 = arith.constant 1 : i32
    scf.for %parallel_loop3A_11 = %parallel_loop3A_8 to %parallel_loop3A_9 step %parallel_loop3A_10  : i32 {
      %parallel_loop3A_12 = arith.constant 16 : i32
      %parallel_loop3A_13 = arith.muli %parallel_loop3A_11, %parallel_loop3A_12 : i32
      %parallel_loop3A_14 = tpu.assume_multiple %parallel_loop3A_13, 16 : i32
      %parallel_loop3A_15 = arith.index_cast %parallel_loop3A_14 : i32 to index
      %parallel_loop3A_16 = tpu.vector_load %arg4[%parallel_loop3A_15] {strides = array<i32>} : memref<10000xi32, #tpu.memory_space<vmem>>, vector<16xi32>,
      tpu.vector_store_idx %arg5[%parallel_loop3A_16], %broadcast_in_dim3A_5 {add = true} : memref<10112xf32, #tpu.memory_space<vmem>>[vector<16xi32>], vector<16xf32>,
    } {sc.loop_unroll_factor = 8 : i64, sc.parallel_access}
    "tpu.region"() ({
      %run_scoped3A = tpu.sem_alloc : memref<!tpu.dma_semaphore, #tpu.memory_space<semaphore_mem>>
      %dma_start3A = arith.constant 0 : i32
      %dma_start3A_11 = tpu.memref_slice %arg3[%add3A, %dma_start3A] : memref<32x10112xf32, #tpu.memory_space<hbm>> -> memref<1x10112xf32, #tpu.memory_space<hbm>>
      %dma_start3A_12 = tpu.memref_squeeze %dma_start3A_11 : memref<1x10112xf32, #tpu.memory_space<hbm>> -> memref<10112xf32, #tpu.memory_space<hbm>>
      %dma_start3A_13 = arith.constant 0 : i32
      %dma_start3A_14 = tpu.memref_slice %arg3[%add3A, %dma_start3A_13] : memref<32x10112xf32, #tpu.memory_space<hbm>> -> memref<1x10112xf32, #tpu.memory_space<hbm>>
      %dma_start3A_15 = tpu.memref_squeeze %dma_start3A_14 : memref<1x10112xf32, #tpu.memory_space<hbm>> -> memref<10112xf32, #tpu.memory_space<hbm>>
      tpu.enqueue_dma source(%arg5 : memref<10112xf32, #tpu.memory_space<vmem>>) target(%dma_start3A_15 : memref<10112xf32, #tpu.memory_space<hbm>>) target_semaphore(%run_scoped3A : memref<!tpu.dma_semaphore, #tpu.memory_space<semaphore_mem>>)
      %dma_wait3A = arith.constant 0 : i32
      %dma_wait3A_16 = tpu.memref_slice %arg3[%add3A, %dma_wait3A] : memref<32x10112xf32, #tpu.memory_space<hbm>> -> memref<1x10112xf32, #tpu.memory_space<hbm>>
      %dma_wait3A_17 = tpu.memref_squeeze %dma_wait3A_16 : memref<1x10112xf32, #tpu.memory_space<hbm>> -> memref<10112xf32, #tpu.memory_space<hbm>>
      %dma_wait3A_18 = arith.constant 0 : i32
      %dma_wait3A_19 = tpu.memref_slice %arg3[%add3A, %dma_wait3A_18] : memref<32x10112xf32, #tpu.memory_space<hbm>> -> memref<1x10112xf32, #tpu.memory_space<hbm>>
      %dma_wait3A_20 = tpu.memref_squeeze %dma_wait3A_19 : memref<1x10112xf32, #tpu.memory_space<hbm>> -> memref<10112xf32, #tpu.memory_space<hbm>>
      tpu.wait_dma2 semaphore(%run_scoped3A : memref<!tpu.dma_semaphore, #tpu.memory_space<semaphore_mem>>) src(%arg5 : memref<10112xf32, #tpu.memory_space<vmem>>) dst(%dma_wait3A_20 : memref<10112xf32, #tpu.memory_space<hbm>>)
      tpu.yield
    }) : () -> ()
    return
  }
}

module attributes {stable_mosaic.version = 14 : i64} {
  func.func @body(%arg0: memref<32x10112xf32, #tpu.memory_space<vmem>>, %arg1: memref<1x10112xf32, #tpu.memory_space<vmem>>) attributes {dimension_semantics = [], scalar_prefetch = 0 : i64, scratch_operands = 0 : i64, tpu.core_type = #tpu.core_type<tc>} {
    %get3A = arith.constant 0 : index
    %get3A_0 = arith.constant 0 : index
    %get3A_1 = vector.load %arg0[%get3A, %get3A_0] : memref<32x10112xf32, #tpu.memory_space<vmem>>, vector<32x10112xf32>
    %reduce_sum3A = arith.constant dense<0.000000e+00> : vector<10112xf32>
    %reduce_sum3A_2 = vector.multi_reduction <add>, %get3A_1, %reduce_sum3A [0] : vector<32x10112xf32> to vector<10112xf32>
    %broadcast_in_dim3A = vector.shape_cast %reduce_sum3A_2 : vector<10112xf32> to vector<1x10112xf32>
    %add3A = arith.constant 1.000000e+00 : f32
    %add3A_3 = vector.broadcast %add3A : f32 to vector<1x10112xf32>
    %add3A_4 = arith.addf %add3A_3, %broadcast_in_dim3A : vector<1x10112xf32>
    %sqrt3A = math.sqrt %add3A_4 : vector<1x10112xf32>
    %div3A = arith.constant 1.000000e+00 : f32
    %div3A_5 = vector.broadcast %div3A : f32 to vector<1x10112xf32>
    %div3A_6 = arith.divf %div3A_5, %sqrt3A : vector<1x10112xf32>
    %swap3A = arith.constant 0 : index
    %swap3A_7 = arith.constant 0 : index
    %swap3A_8 = vector.load %arg1[%swap3A, %swap3A_7] : memref<1x10112xf32, #tpu.memory_space<vmem>>, vector<1x10112xf32>
    tpu.vector_store %arg1[%swap3A, %swap3A_7], %div3A_6 {strides = array<i32>} : memref<1x10112xf32, #tpu.memory_space<vmem>>, vector<1x10112xf32>,
    return
  }
}

module attributes {stable_mosaic.version = 14 : i64} {
  func.func @body(%arg0: i32, %arg1: memref<16x1000x128xf32, #tpu.memory_space<vmem>>, %arg2: memref<32x1x1x1000xf32, #tpu.memory_space<vmem>>, %arg3: memref<128x128xf32, #tpu.memory_space<vmem>>, %arg4: memref<1x128xf32, #tpu.memory_space<vmem>>, %arg5: memref<128x512xf32, #tpu.memory_space<vmem>>, %arg6: memref<128x512xf32, #tpu.memory_space<vmem>>, %arg7: memref<1x512xf32, #tpu.memory_space<vmem>>, %arg8: memref<1x512xf32, #tpu.memory_space<vmem>>, %arg9: memref<128x16xf32, #tpu.memory_space<vmem>>, %arg10: memref<1x16xf32, #tpu.memory_space<vmem>>, %arg11: memref<2x16xf32, #tpu.memory_space<vmem>>, %arg12: memref<16x128xf32, #tpu.memory_space<vmem>>) attributes {dimension_semantics = [#tpu.dimension_semantics<arbitrary>], iteration_bounds = array<i64: 10>, scalar_prefetch = 0 : i64, scratch_operands = 1 : i64, tpu.core_type = #tpu.core_type<tc>, window_params = [{transform_indices = @transform_0, window_bounds = array<i64: 16, 1000, 128>}, {transform_indices = @transform_1, window_bounds = array<i64: 32, 1, 1, 1000>}, {pipeline_mode = #tpu.pipeline_mode<synchronous>, transform_indices = @transform_2, window_bounds = array<i64: 128, 128>}, {pipeline_mode = #tpu.pipeline_mode<synchronous>, transform_indices = @transform_3, window_bounds = array<i64: 1, 128>}, {pipeline_mode = #tpu.pipeline_mode<synchronous>, transform_indices = @transform_4, window_bounds = array<i64: 128, 512>}, {pipeline_mode = #tpu.pipeline_mode<synchronous>, transform_indices = @transform_5, window_bounds = array<i64: 128, 512>}, {pipeline_mode = #tpu.pipeline_mode<synchronous>, transform_indices = @transform_6, window_bounds = array<i64: 1, 512>}, {pipeline_mode = #tpu.pipeline_mode<synchronous>, transform_indices = @transform_7, window_bounds = array<i64: 1, 512>}, {pipeline_mode = #tpu.pipeline_mode<synchronous>, transform_indices = @transform_8, window_bounds = array<i64: 128, 16>}, {pipeline_mode = #tpu.pipeline_mode<synchronous>, transform_indices = @transform_9, window_bounds = array<i64: 1, 16>}, {pipeline_mode = #tpu.pipeline_mode<synchronous>, transform_indices = @transform_10, window_bounds = array<i64: 2, 16>}]} {
    %eq3A = arith.constant 0 : i32
    %eq3A_0 = arith.cmpi eq, %arg0, %eq3A : i32
    %convert_element_type3A = arith.extui %eq3A_0 : i1 to i32
    %cond3A = arith.constant 0 : i32
    %cond3A_1 = arith.cmpi ne, %convert_element_type3A, %cond3A : i32
    scf.if %cond3A_1 {
      %broadcast_in_dim3A_30 = arith.constant 0.000000e+00 : f32
      %broadcast_in_dim3A_31 = vector.broadcast %broadcast_in_dim3A_30 : f32 to vector<16x128xf32>
      %swap3A_32 = arith.constant 0 : index
      %swap3A_33 = arith.constant 0 : index
      %swap3A_34 = vector.load %arg12[%swap3A_32, %swap3A_33] : memref<16x128xf32, #tpu.memory_space<vmem>>, vector<16x128xf32>
      tpu.vector_store %arg12[%swap3A_32, %swap3A_33], %broadcast_in_dim3A_31 {strides = array<i32>} : memref<16x128xf32, #tpu.memory_space<vmem>>, vector<16x128xf32>,
    } else {
    }
    %get3A = arith.constant 0 : index
    %get3A_2 = arith.constant 0 : index
    %get3A_3 = arith.constant 0 : index
    %get3A_4 = arith.constant 0 : index
    %get3A_5 = vector.load %arg2[%get3A, %get3A_2, %get3A_3, %get3A_4] : memref<32x1x1x1000xf32, #tpu.memory_space<vmem>>, vector<32x1x1x1000xf32>
    %get3A_6 = vector.shape_cast %get3A_5 : vector<32x1x1x1000xf32> to vector<32x1x1000xf32>
    %reduce_sum3A = arith.constant dense<0.000000e+00> : vector<1x1000xf32>
    %reduce_sum3A_7 = vector.multi_reduction <add>, %get3A_6, %reduce_sum3A [0] : vector<32x1x1000xf32> to vector<1x1000xf32>
    %get3A_8 = arith.constant 0 : index
    %get3A_9 = arith.constant 0 : index
    %get3A_10 = arith.constant 0 : index
    %get3A_11 = vector.load %arg1[%get3A_8, %get3A_9, %get3A_10] : memref<16x1000x128xf32, #tpu.memory_space<vmem>>, vector<16x1000x128xf32>
    %reshape3A = vector.shape_cast %get3A_11 : vector<16x1000x128xf32> to vector<16000x128xf32>
    %get3A_12 = arith.constant 0 : index
    %get3A_13 = arith.constant 0 : index
    %get3A_14 = vector.load %arg3[%get3A_12, %get3A_13] : memref<128x128xf32, #tpu.memory_space<vmem>>, vector<128x128xf32>
    %dot_general3A = arith.constant dense<0.000000e+00> : vector<16000x128xf32>
    %dot_general3A_15 = tpu.matmul %reshape3A, %get3A_14, %dot_general3A {dimension_numbers = #tpu.dot_dimension_numbers<[1], [0], [0], [1], [0, 0, 1, 1], [], []>, transpose_lhs_hint = false} : vector<16000x128xf32>, vector<128x128xf32>, vector<16000x128xf32> -> vector<16000x128xf32>
    %reshape3A_16 = vector.shape_cast %dot_general3A_15 : vector<16000x128xf32> to vector<16x1000x128xf32>
    %get3A_17 = arith.constant 0 : index
    %get3A_18 = arith.constant 0 : index
    %get3A_19 = vector.load %arg12[%get3A_17, %get3A_18] : memref<16x128xf32, #tpu.memory_space<vmem>>, vector<16x128xf32>
    %broadcast_in_dim3A = vector.shape_cast %reduce_sum3A_7 : vector<1x1000xf32> to vector<1x1000x1xf32>
    %mul3A = vector.broadcast %broadcast_in_dim3A : vector<1x1000x1xf32> to vector<16x1000x128xf32>
    %mul3A_20 = arith.mulf %reshape3A_16, %mul3A : vector<16x1000x128xf32>
    %reduce_sum3A_21 = arith.constant dense<0.000000e+00> : vector<16x128xf32>
    %reduce_sum3A_22 = vector.multi_reduction <add>, %mul3A_20, %reduce_sum3A_21 [1] : vector<16x1000x128xf32> to vector<16x128xf32>
    %add3A = arith.addf %get3A_19, %reduce_sum3A_22 : vector<16x128xf32>
    %swap3A = arith.constant 0 : index
    %swap3A_23 = arith.constant 0 : index
    %swap3A_24 = vector.load %arg12[%swap3A, %swap3A_23] : memref<16x128xf32, #tpu.memory_space<vmem>>, vector<16x128xf32>
    tpu.vector_store %arg12[%swap3A, %swap3A_23], %add3A {strides = array<i32>} : memref<16x128xf32, #tpu.memory_space<vmem>>, vector<16x128xf32>,
    %eq3A_25 = arith.constant 9 : i32
    %eq3A_26 = arith.cmpi eq, %arg0, %eq3A_25 : i32
    %convert_element_type3A_27 = arith.extui %eq3A_26 : i1 to i32
    %cond3A_28 = arith.constant 0 : i32
    %cond3A_29 = arith.cmpi ne, %convert_element_type3A_27, %cond3A_28 : i32
    scf.if %cond3A_29 {
      %get3A_30 = arith.constant 0 : index
      %get3A_31 = arith.constant 0 : index
      %get3A_32 = vector.load %arg12[%get3A_30, %get3A_31] : memref<16x128xf32, #tpu.memory_space<vmem>>, vector<16x128xf32>
      %mul3A_33 = arith.constant 9.99999974E-5 : f32
      %mul3A_34 = vector.broadcast %mul3A_33 : f32 to vector<16x128xf32>
      %mul3A_35 = arith.mulf %get3A_32, %mul3A_34 : vector<16x128xf32>
      %get3A_36 = arith.constant 0 : index
      %get3A_37 = arith.constant 0 : index
      %get3A_38 = vector.load %arg4[%get3A_36, %get3A_37] : memref<1x128xf32, #tpu.memory_space<vmem>>, vector<1x128xf32>
      %add3A_39 = vector.broadcast %get3A_38 : vector<1x128xf32> to vector<16x128xf32>
      %add3A_40 = arith.addf %mul3A_35, %add3A_39 : vector<16x128xf32>
      %broadcast_in_dim3A_41 = arith.constant 0.000000e+00 : f32
      %broadcast_in_dim3A_42 = vector.broadcast %broadcast_in_dim3A_41 : f32 to vector<2x128xf32>
      %broadcast_in_dim3A_43 = arith.constant 0.000000e+00 : f32
      %broadcast_in_dim3A_44 = vector.broadcast %broadcast_in_dim3A_43 : f32 to vector<2x128xf32>
      %get3A_45 = arith.constant 0 : index
      %get3A_46 = arith.constant 0 : index
      %get3A_47 = vector.load %arg7[%get3A_45, %get3A_46] : memref<1x512xf32, #tpu.memory_space<vmem>>, vector<1x512xf32>
      %get3A_48 = arith.constant 0 : index
      %get3A_49 = arith.constant 0 : index
      %get3A_50 = vector.load %arg8[%get3A_48, %get3A_49] : memref<1x512xf32, #tpu.memory_space<vmem>>, vector<1x512xf32>
      %add3A_51 = arith.addf %get3A_47, %get3A_50 : vector<1x512xf32>
      %slice3A = vector.extract_strided_slice %add3A_40 {offsets = [0, 0], sizes = [1, 128], strides = [1, 1]} : vector<16x128xf32> to vector<1x128xf32>
      %slice3A_52 = vector.extract_strided_slice %add3A_40 {offsets = [8, 0], sizes = [1, 128], strides = [1, 1]} : vector<16x128xf32> to vector<1x128xf32>
      %concatenate3A = tpu.concatenate %slice3A, %slice3A_52 in 0 : vector<1x128xf32>, vector<1x128xf32> -> vector<2x128xf32>
      %get3A_53 = arith.constant 0 : index
      %get3A_54 = arith.constant 0 : index
      %get3A_55 = vector.load %arg5[%get3A_53, %get3A_54] : memref<128x512xf32, #tpu.memory_space<vmem>>, vector<128x512xf32>
      %dot_general3A_56 = arith.constant dense<0.000000e+00> : vector<2x512xf32>
      %dot_general3A_57 = tpu.matmul %concatenate3A, %get3A_55, %dot_general3A_56 {dimension_numbers = #tpu.dot_dimension_numbers<[1], [0], [0], [1], [0, 0, 1, 1], [], []>, transpose_lhs_hint = false} : vector<2x128xf32>, vector<128x512xf32>, vector<2x512xf32> -> vector<2x512xf32>
      %get3A_58 = arith.constant 0 : index
      %get3A_59 = arith.constant 0 : index
      %get3A_60 = vector.load %arg6[%get3A_58, %get3A_59] : memref<128x512xf32, #tpu.memory_space<vmem>>, vector<128x512xf32>
      %dot_general3A_61 = arith.constant dense<0.000000e+00> : vector<2x512xf32>
      %dot_general3A_62 = tpu.matmul %broadcast_in_dim3A_42, %get3A_60, %dot_general3A_61 {dimension_numbers = #tpu.dot_dimension_numbers<[1], [0], [0], [1], [0, 0, 1, 1], [], []>, transpose_lhs_hint = false} : vector<2x128xf32>, vector<128x512xf32>, vector<2x512xf32> -> vector<2x512xf32>
      %add3A_63 = arith.addf %dot_general3A_57, %dot_general3A_62 : vector<2x512xf32>
      %add3A_64 = vector.broadcast %add3A_51 : vector<1x512xf32> to vector<2x512xf32>
      %add3A_65 = arith.addf %add3A_63, %add3A_64 : vector<2x512xf32>
      %slice3A_66 = vector.extract_strided_slice %add3A_65 {offsets = [0, 0], sizes = [2, 128], strides = [1, 1]} : vector<2x512xf32> to vector<2x128xf32>
      %logistic3A = arith.negf %slice3A_66 : vector<2x128xf32>
      %logistic3A_67 = math.exp %logistic3A : vector<2x128xf32>
      %logistic3A_68 = arith.constant 1.000000e+00 : f32
      %logistic3A_69 = vector.broadcast %logistic3A_68 : f32 to vector<2x128xf32>
      %logistic3A_70 = arith.addf %logistic3A_69, %logistic3A_67 : vector<2x128xf32>
      %logistic3A_71 = arith.divf %logistic3A_69, %logistic3A_70 : vector<2x128xf32>
      %slice3A_72 = vector.extract_strided_slice %add3A_65 {offsets = [0, 128], sizes = [2, 128], strides = [1, 1]} : vector<2x512xf32> to vector<2x128xf32>
      %logistic3A_73 = arith.negf %slice3A_72 : vector<2x128xf32>
      %logistic3A_74 = math.exp %logistic3A_73 : vector<2x128xf32>
      %logistic3A_75 = arith.constant 1.000000e+00 : f32
      %logistic3A_76 = vector.broadcast %logistic3A_75 : f32 to vector<2x128xf32>
      %logistic3A_77 = arith.addf %logistic3A_76, %logistic3A_74 : vector<2x128xf32>
      %logistic3A_78 = arith.divf %logistic3A_76, %logistic3A_77 : vector<2x128xf32>
      %slice3A_79 = vector.extract_strided_slice %add3A_65 {offsets = [0, 256], sizes = [2, 128], strides = [1, 1]} : vector<2x512xf32> to vector<2x128xf32>
      %tanh3A = math.tanh %slice3A_79 : vector<2x128xf32>
      %slice3A_80 = vector.extract_strided_slice %add3A_65 {offsets = [0, 384], sizes = [2, 128], strides = [1, 1]} : vector<2x512xf32> to vector<2x128xf32>
      %logistic3A_81 = arith.negf %slice3A_80 : vector<2x128xf32>
      %logistic3A_82 = math.exp %logistic3A_81 : vector<2x128xf32>
      %logistic3A_83 = arith.constant 1.000000e+00 : f32
      %logistic3A_84 = vector.broadcast %logistic3A_83 : f32 to vector<2x128xf32>
      %logistic3A_85 = arith.addf %logistic3A_84, %logistic3A_82 : vector<2x128xf32>
      %logistic3A_86 = arith.divf %logistic3A_84, %logistic3A_85 : vector<2x128xf32>
      %mul3A_87 = arith.mulf %logistic3A_78, %broadcast_in_dim3A_44 : vector<2x128xf32>
      %mul3A_88 = arith.mulf %logistic3A_71, %tanh3A : vector<2x128xf32>
      %add3A_89 = arith.addf %mul3A_87, %mul3A_88 : vector<2x128xf32>
      %tanh3A_90 = math.tanh %add3A_89 : vector<2x128xf32>
      %mul3A_91 = arith.mulf %logistic3A_86, %tanh3A_90 : vector<2x128xf32>
      %slice3A_92 = vector.extract_strided_slice %add3A_40 {offsets = [1, 0], sizes = [1, 128], strides = [1, 1]} : vector<16x128xf32> to vector<1x128xf32>
      %slice3A_93 = vector.extract_strided_slice %add3A_40 {offsets = [9, 0], sizes = [1, 128], strides = [1, 1]} : vector<16x128xf32> to vector<1x128xf32>
      %concatenate3A_94 = tpu.concatenate %slice3A_92, %slice3A_93 in 0 : vector<1x128xf32>, vector<1x128xf32> -> vector<2x128xf32>
      %get3A_95 = arith.constant 0 : index
      %get3A_96 = arith.constant 0 : index
      %get3A_97 = vector.load %arg5[%get3A_95, %get3A_96] : memref<128x512xf32, #tpu.memory_space<vmem>>, vector<128x512xf32>
      %dot_general3A_98 = arith.constant dense<0.000000e+00> : vector<2x512xf32>
      %dot_general3A_99 = tpu.matmul %concatenate3A_94, %get3A_97, %dot_general3A_98 {dimension_numbers = #tpu.dot_dimension_numbers<[1], [0], [0], [1], [0, 0, 1, 1], [], []>, transpose_lhs_hint = false} : vector<2x128xf32>, vector<128x512xf32>, vector<2x512xf32> -> vector<2x512xf32>
      %get3A_100 = arith.constant 0 : index
      %get3A_101 = arith.constant 0 : index
      %get3A_102 = vector.load %arg6[%get3A_100, %get3A_101] : memref<128x512xf32, #tpu.memory_space<vmem>>, vector<128x512xf32>
      %dot_general3A_103 = arith.constant dense<0.000000e+00> : vector<2x512xf32>
      %dot_general3A_104 = tpu.matmul %mul3A_91, %get3A_102, %dot_general3A_103 {dimension_numbers = #tpu.dot_dimension_numbers<[1], [0], [0], [1], [0, 0, 1, 1], [], []>, transpose_lhs_hint = false} : vector<2x128xf32>, vector<128x512xf32>, vector<2x512xf32> -> vector<2x512xf32>
      %add3A_105 = arith.addf %dot_general3A_99, %dot_general3A_104 : vector<2x512xf32>
      %add3A_106 = vector.broadcast %add3A_51 : vector<1x512xf32> to vector<2x512xf32>
      %add3A_107 = arith.addf %add3A_105, %add3A_106 : vector<2x512xf32>
      %slice3A_108 = vector.extract_strided_slice %add3A_107 {offsets = [0, 0], sizes = [2, 128], strides = [1, 1]} : vector<2x512xf32> to vector<2x128xf32>
      %logistic3A_109 = arith.negf %slice3A_108 : vector<2x128xf32>
      %logistic3A_110 = math.exp %logistic3A_109 : vector<2x128xf32>
      %logistic3A_111 = arith.constant 1.000000e+00 : f32
      %logistic3A_112 = vector.broadcast %logistic3A_111 : f32 to vector<2x128xf32>
      %logistic3A_113 = arith.addf %logistic3A_112, %logistic3A_110 : vector<2x128xf32>
      %logistic3A_114 = arith.divf %logistic3A_112, %logistic3A_113 : vector<2x128xf32>
      %slice3A_115 = vector.extract_strided_slice %add3A_107 {offsets = [0, 128], sizes = [2, 128], strides = [1, 1]} : vector<2x512xf32> to vector<2x128xf32>
      %logistic3A_116 = arith.negf %slice3A_115 : vector<2x128xf32>
      %logistic3A_117 = math.exp %logistic3A_116 : vector<2x128xf32>
      %logistic3A_118 = arith.constant 1.000000e+00 : f32
      %logistic3A_119 = vector.broadcast %logistic3A_118 : f32 to vector<2x128xf32>
      %logistic3A_120 = arith.addf %logistic3A_119, %logistic3A_117 : vector<2x128xf32>
      %logistic3A_121 = arith.divf %logistic3A_119, %logistic3A_120 : vector<2x128xf32>
      %slice3A_122 = vector.extract_strided_slice %add3A_107 {offsets = [0, 256], sizes = [2, 128], strides = [1, 1]} : vector<2x512xf32> to vector<2x128xf32>
      %tanh3A_123 = math.tanh %slice3A_122 : vector<2x128xf32>
      %slice3A_124 = vector.extract_strided_slice %add3A_107 {offsets = [0, 384], sizes = [2, 128], strides = [1, 1]} : vector<2x512xf32> to vector<2x128xf32>
      %logistic3A_125 = arith.negf %slice3A_124 : vector<2x128xf32>
      %logistic3A_126 = math.exp %logistic3A_125 : vector<2x128xf32>
      %logistic3A_127 = arith.constant 1.000000e+00 : f32
      %logistic3A_128 = vector.broadcast %logistic3A_127 : f32 to vector<2x128xf32>
      %logistic3A_129 = arith.addf %logistic3A_128, %logistic3A_126 : vector<2x128xf32>
      %logistic3A_130 = arith.divf %logistic3A_128, %logistic3A_129 : vector<2x128xf32>
      %mul3A_131 = arith.mulf %logistic3A_121, %add3A_89 : vector<2x128xf32>
      %mul3A_132 = arith.mulf %logistic3A_114, %tanh3A_123 : vector<2x128xf32>
      %add3A_133 = arith.addf %mul3A_131, %mul3A_132 : vector<2x128xf32>
      %tanh3A_134 = math.tanh %add3A_133 : vector<2x128xf32>
      %mul3A_135 = arith.mulf %logistic3A_130, %tanh3A_134 : vector<2x128xf32>
      %slice3A_136 = vector.extract_strided_slice %add3A_40 {offsets = [2, 0], sizes = [1, 128], strides = [1, 1]} : vector<16x128xf32> to vector<1x128xf32>
      %slice3A_137 = vector.extract_strided_slice %add3A_40 {offsets = [10, 0], sizes = [1, 128], strides = [1, 1]} : vector<16x128xf32> to vector<1x128xf32>
      %concatenate3A_138 = tpu.concatenate %slice3A_136, %slice3A_137 in 0 : vector<1x128xf32>, vector<1x128xf32> -> vector<2x128xf32>
      %get3A_139 = arith.constant 0 : index
      %get3A_140 = arith.constant 0 : index
      %get3A_141 = vector.load %arg5[%get3A_139, %get3A_140] : memref<128x512xf32, #tpu.memory_space<vmem>>, vector<128x512xf32>
      %dot_general3A_142 = arith.constant dense<0.000000e+00> : vector<2x512xf32>
      %dot_general3A_143 = tpu.matmul %concatenate3A_138, %get3A_141, %dot_general3A_142 {dimension_numbers = #tpu.dot_dimension_numbers<[1], [0], [0], [1], [0, 0, 1, 1], [], []>, transpose_lhs_hint = false} : vector<2x128xf32>, vector<128x512xf32>, vector<2x512xf32> -> vector<2x512xf32>
      %get3A_144 = arith.constant 0 : index
      %get3A_145 = arith.constant 0 : index
      %get3A_146 = vector.load %arg6[%get3A_144, %get3A_145] : memref<128x512xf32, #tpu.memory_space<vmem>>, vector<128x512xf32>
      %dot_general3A_147 = arith.constant dense<0.000000e+00> : vector<2x512xf32>
      %dot_general3A_148 = tpu.matmul %mul3A_135, %get3A_146, %dot_general3A_147 {dimension_numbers = #tpu.dot_dimension_numbers<[1], [0], [0], [1], [0, 0, 1, 1], [], []>, transpose_lhs_hint = false} : vector<2x128xf32>, vector<128x512xf32>, vector<2x512xf32> -> vector<2x512xf32>
      %add3A_149 = arith.addf %dot_general3A_143, %dot_general3A_148 : vector<2x512xf32>
      %add3A_150 = vector.broadcast %add3A_51 : vector<1x512xf32> to vector<2x512xf32>
      %add3A_151 = arith.addf %add3A_149, %add3A_150 : vector<2x512xf32>
      %slice3A_152 = vector.extract_strided_slice %add3A_151 {offsets = [0, 0], sizes = [2, 128], strides = [1, 1]} : vector<2x512xf32> to vector<2x128xf32>
      %logistic3A_153 = arith.negf %slice3A_152 : vector<2x128xf32>
      %logistic3A_154 = math.exp %logistic3A_153 : vector<2x128xf32>
      %logistic3A_155 = arith.constant 1.000000e+00 : f32
      %logistic3A_156 = vector.broadcast %logistic3A_155 : f32 to vector<2x128xf32>
      %logistic3A_157 = arith.addf %logistic3A_156, %logistic3A_154 : vector<2x128xf32>
      %logistic3A_158 = arith.divf %logistic3A_156, %logistic3A_157 : vector<2x128xf32>
      %slice3A_159 = vector.extract_strided_slice %add3A_151 {offsets = [0, 128], sizes = [2, 128], strides = [1, 1]} : vector<2x512xf32> to vector<2x128xf32>
      %logistic3A_160 = arith.negf %slice3A_159 : vector<2x128xf32>
      %logistic3A_161 = math.exp %logistic3A_160 : vector<2x128xf32>
      %logistic3A_162 = arith.constant 1.000000e+00 : f32
      %logistic3A_163 = vector.broadcast %logistic3A_162 : f32 to vector<2x128xf32>
      %logistic3A_164 = arith.addf %logistic3A_163, %logistic3A_161 : vector<2x128xf32>
      %logistic3A_165 = arith.divf %logistic3A_163, %logistic3A_164 : vector<2x128xf32>
      %slice3A_166 = vector.extract_strided_slice %add3A_151 {offsets = [0, 256], sizes = [2, 128], strides = [1, 1]} : vector<2x512xf32> to vector<2x128xf32>
      %tanh3A_167 = math.tanh %slice3A_166 : vector<2x128xf32>
      %slice3A_168 = vector.extract_strided_slice %add3A_151 {offsets = [0, 384], sizes = [2, 128], strides = [1, 1]} : vector<2x512xf32> to vector<2x128xf32>
      %logistic3A_169 = arith.negf %slice3A_168 : vector<2x128xf32>
      %logistic3A_170 = math.exp %logistic3A_169 : vector<2x128xf32>
      %logistic3A_171 = arith.constant 1.000000e+00 : f32
      %logistic3A_172 = vector.broadcast %logistic3A_171 : f32 to vector<2x128xf32>
      %logistic3A_173 = arith.addf %logistic3A_172, %logistic3A_170 : vector<2x128xf32>
      %logistic3A_174 = arith.divf %logistic3A_172, %logistic3A_173 : vector<2x128xf32>
      %mul3A_175 = arith.mulf %logistic3A_165, %add3A_133 : vector<2x128xf32>
      %mul3A_176 = arith.mulf %logistic3A_158, %tanh3A_167 : vector<2x128xf32>
      %add3A_177 = arith.addf %mul3A_175, %mul3A_176 : vector<2x128xf32>
      %tanh3A_178 = math.tanh %add3A_177 : vector<2x128xf32>
      %mul3A_179 = arith.mulf %logistic3A_174, %tanh3A_178 : vector<2x128xf32>
      %slice3A_180 = vector.extract_strided_slice %add3A_40 {offsets = [3, 0], sizes = [1, 128], strides = [1, 1]} : vector<16x128xf32> to vector<1x128xf32>
      %slice3A_181 = vector.extract_strided_slice %add3A_40 {offsets = [11, 0], sizes = [1, 128], strides = [1, 1]} : vector<16x128xf32> to vector<1x128xf32>
      %concatenate3A_182 = tpu.concatenate %slice3A_180, %slice3A_181 in 0 : vector<1x128xf32>, vector<1x128xf32> -> vector<2x128xf32>
      %get3A_183 = arith.constant 0 : index
      %get3A_184 = arith.constant 0 : index
      %get3A_185 = vector.load %arg5[%get3A_183, %get3A_184] : memref<128x512xf32, #tpu.memory_space<vmem>>, vector<128x512xf32>
      %dot_general3A_186 = arith.constant dense<0.000000e+00> : vector<2x512xf32>
      %dot_general3A_187 = tpu.matmul %concatenate3A_182, %get3A_185, %dot_general3A_186 {dimension_numbers = #tpu.dot_dimension_numbers<[1], [0], [0], [1], [0, 0, 1, 1], [], []>, transpose_lhs_hint = false} : vector<2x128xf32>, vector<128x512xf32>, vector<2x512xf32> -> vector<2x512xf32>
      %get3A_188 = arith.constant 0 : index
      %get3A_189 = arith.constant 0 : index
      %get3A_190 = vector.load %arg6[%get3A_188, %get3A_189] : memref<128x512xf32, #tpu.memory_space<vmem>>, vector<128x512xf32>
      %dot_general3A_191 = arith.constant dense<0.000000e+00> : vector<2x512xf32>
      %dot_general3A_192 = tpu.matmul %mul3A_179, %get3A_190, %dot_general3A_191 {dimension_numbers = #tpu.dot_dimension_numbers<[1], [0], [0], [1], [0, 0, 1, 1], [], []>, transpose_lhs_hint = false} : vector<2x128xf32>, vector<128x512xf32>, vector<2x512xf32> -> vector<2x512xf32>
      %add3A_193 = arith.addf %dot_general3A_187, %dot_general3A_192 : vector<2x512xf32>
      %add3A_194 = vector.broadcast %add3A_51 : vector<1x512xf32> to vector<2x512xf32>
      %add3A_195 = arith.addf %add3A_193, %add3A_194 : vector<2x512xf32>
      %slice3A_196 = vector.extract_strided_slice %add3A_195 {offsets = [0, 0], sizes = [2, 128], strides = [1, 1]} : vector<2x512xf32> to vector<2x128xf32>
      %logistic3A_197 = arith.negf %slice3A_196 : vector<2x128xf32>
      %logistic3A_198 = math.exp %logistic3A_197 : vector<2x128xf32>
      %logistic3A_199 = arith.constant 1.000000e+00 : f32
      %logistic3A_200 = vector.broadcast %logistic3A_199 : f32 to vector<2x128xf32>
      %logistic3A_201 = arith.addf %logistic3A_200, %logistic3A_198 : vector<2x128xf32>
      %logistic3A_202 = arith.divf %logistic3A_200, %logistic3A_201 : vector<2x128xf32>
      %slice3A_203 = vector.extract_strided_slice %add3A_195 {offsets = [0, 128], sizes = [2, 128], strides = [1, 1]} : vector<2x512xf32> to vector<2x128xf32>
      %logistic3A_204 = arith.negf %slice3A_203 : vector<2x128xf32>
      %logistic3A_205 = math.exp %logistic3A_204 : vector<2x128xf32>
      %logistic3A_206 = arith.constant 1.000000e+00 : f32
      %logistic3A_207 = vector.broadcast %logistic3A_206 : f32 to vector<2x128xf32>
      %logistic3A_208 = arith.addf %logistic3A_207, %logistic3A_205 : vector<2x128xf32>
      %logistic3A_209 = arith.divf %logistic3A_207, %logistic3A_208 : vector<2x128xf32>
      %slice3A_210 = vector.extract_strided_slice %add3A_195 {offsets = [0, 256], sizes = [2, 128], strides = [1, 1]} : vector<2x512xf32> to vector<2x128xf32>
      %tanh3A_211 = math.tanh %slice3A_210 : vector<2x128xf32>
      %slice3A_212 = vector.extract_strided_slice %add3A_195 {offsets = [0, 384], sizes = [2, 128], strides = [1, 1]} : vector<2x512xf32> to vector<2x128xf32>
      %logistic3A_213 = arith.negf %slice3A_212 : vector<2x128xf32>
      %logistic3A_214 = math.exp %logistic3A_213 : vector<2x128xf32>
      %logistic3A_215 = arith.constant 1.000000e+00 : f32
      %logistic3A_216 = vector.broadcast %logistic3A_215 : f32 to vector<2x128xf32>
      %logistic3A_217 = arith.addf %logistic3A_216, %logistic3A_214 : vector<2x128xf32>
      %logistic3A_218 = arith.divf %logistic3A_216, %logistic3A_217 : vector<2x128xf32>
      %mul3A_219 = arith.mulf %logistic3A_209, %add3A_177 : vector<2x128xf32>
      %mul3A_220 = arith.mulf %logistic3A_202, %tanh3A_211 : vector<2x128xf32>
      %add3A_221 = arith.addf %mul3A_219, %mul3A_220 : vector<2x128xf32>
      %tanh3A_222 = math.tanh %add3A_221 : vector<2x128xf32>
      %mul3A_223 = arith.mulf %logistic3A_218, %tanh3A_222 : vector<2x128xf32>
      %slice3A_224 = vector.extract_strided_slice %add3A_40 {offsets = [4, 0], sizes = [1, 128], strides = [1, 1]} : vector<16x128xf32> to vector<1x128xf32>
      %slice3A_225 = vector.extract_strided_slice %add3A_40 {offsets = [12, 0], sizes = [1, 128], strides = [1, 1]} : vector<16x128xf32> to vector<1x128xf32>
      %concatenate3A_226 = tpu.concatenate %slice3A_224, %slice3A_225 in 0 : vector<1x128xf32>, vector<1x128xf32> -> vector<2x128xf32>
      %get3A_227 = arith.constant 0 : index
      %get3A_228 = arith.constant 0 : index
      %get3A_229 = vector.load %arg5[%get3A_227, %get3A_228] : memref<128x512xf32, #tpu.memory_space<vmem>>, vector<128x512xf32>
      %dot_general3A_230 = arith.constant dense<0.000000e+00> : vector<2x512xf32>
      %dot_general3A_231 = tpu.matmul %concatenate3A_226, %get3A_229, %dot_general3A_230 {dimension_numbers = #tpu.dot_dimension_numbers<[1], [0], [0], [1], [0, 0, 1, 1], [], []>, transpose_lhs_hint = false} : vector<2x128xf32>, vector<128x512xf32>, vector<2x512xf32> -> vector<2x512xf32>
      %get3A_232 = arith.constant 0 : index
      %get3A_233 = arith.constant 0 : index
      %get3A_234 = vector.load %arg6[%get3A_232, %get3A_233] : memref<128x512xf32, #tpu.memory_space<vmem>>, vector<128x512xf32>
      %dot_general3A_235 = arith.constant dense<0.000000e+00> : vector<2x512xf32>
      %dot_general3A_236 = tpu.matmul %mul3A_223, %get3A_234, %dot_general3A_235 {dimension_numbers = #tpu.dot_dimension_numbers<[1], [0], [0], [1], [0, 0, 1, 1], [], []>, transpose_lhs_hint = false} : vector<2x128xf32>, vector<128x512xf32>, vector<2x512xf32> -> vector<2x512xf32>
      %add3A_237 = arith.addf %dot_general3A_231, %dot_general3A_236 : vector<2x512xf32>
      %add3A_238 = vector.broadcast %add3A_51 : vector<1x512xf32> to vector<2x512xf32>
      %add3A_239 = arith.addf %add3A_237, %add3A_238 : vector<2x512xf32>
      %slice3A_240 = vector.extract_strided_slice %add3A_239 {offsets = [0, 0], sizes = [2, 128], strides = [1, 1]} : vector<2x512xf32> to vector<2x128xf32>
      %logistic3A_241 = arith.negf %slice3A_240 : vector<2x128xf32>
      %logistic3A_242 = math.exp %logistic3A_241 : vector<2x128xf32>
      %logistic3A_243 = arith.constant 1.000000e+00 : f32
      %logistic3A_244 = vector.broadcast %logistic3A_243 : f32 to vector<2x128xf32>
      %logistic3A_245 = arith.addf %logistic3A_244, %logistic3A_242 : vector<2x128xf32>
      %logistic3A_246 = arith.divf %logistic3A_244, %logistic3A_245 : vector<2x128xf32>
      %slice3A_247 = vector.extract_strided_slice %add3A_239 {offsets = [0, 128], sizes = [2, 128], strides = [1, 1]} : vector<2x512xf32> to vector<2x128xf32>
      %logistic3A_248 = arith.negf %slice3A_247 : vector<2x128xf32>
      %logistic3A_249 = math.exp %logistic3A_248 : vector<2x128xf32>
      %logistic3A_250 = arith.constant 1.000000e+00 : f32
      %logistic3A_251 = vector.broadcast %logistic3A_250 : f32 to vector<2x128xf32>
      %logistic3A_252 = arith.addf %logistic3A_251, %logistic3A_249 : vector<2x128xf32>
      %logistic3A_253 = arith.divf %logistic3A_251, %logistic3A_252 : vector<2x128xf32>
      %slice3A_254 = vector.extract_strided_slice %add3A_239 {offsets = [0, 256], sizes = [2, 128], strides = [1, 1]} : vector<2x512xf32> to vector<2x128xf32>
      %tanh3A_255 = math.tanh %slice3A_254 : vector<2x128xf32>
      %slice3A_256 = vector.extract_strided_slice %add3A_239 {offsets = [0, 384], sizes = [2, 128], strides = [1, 1]} : vector<2x512xf32> to vector<2x128xf32>
      %logistic3A_257 = arith.negf %slice3A_256 : vector<2x128xf32>
      %logistic3A_258 = math.exp %logistic3A_257 : vector<2x128xf32>
      %logistic3A_259 = arith.constant 1.000000e+00 : f32
      %logistic3A_260 = vector.broadcast %logistic3A_259 : f32 to vector<2x128xf32>
      %logistic3A_261 = arith.addf %logistic3A_260, %logistic3A_258 : vector<2x128xf32>
      %logistic3A_262 = arith.divf %logistic3A_260, %logistic3A_261 : vector<2x128xf32>
      %mul3A_263 = arith.mulf %logistic3A_253, %add3A_221 : vector<2x128xf32>
      %mul3A_264 = arith.mulf %logistic3A_246, %tanh3A_255 : vector<2x128xf32>
      %add3A_265 = arith.addf %mul3A_263, %mul3A_264 : vector<2x128xf32>
      %tanh3A_266 = math.tanh %add3A_265 : vector<2x128xf32>
      %mul3A_267 = arith.mulf %logistic3A_262, %tanh3A_266 : vector<2x128xf32>
      %slice3A_268 = vector.extract_strided_slice %add3A_40 {offsets = [5, 0], sizes = [1, 128], strides = [1, 1]} : vector<16x128xf32> to vector<1x128xf32>
      %slice3A_269 = vector.extract_strided_slice %add3A_40 {offsets = [13, 0], sizes = [1, 128], strides = [1, 1]} : vector<16x128xf32> to vector<1x128xf32>
      %concatenate3A_270 = tpu.concatenate %slice3A_268, %slice3A_269 in 0 : vector<1x128xf32>, vector<1x128xf32> -> vector<2x128xf32>
      %get3A_271 = arith.constant 0 : index
      %get3A_272 = arith.constant 0 : index
      %get3A_273 = vector.load %arg5[%get3A_271, %get3A_272] : memref<128x512xf32, #tpu.memory_space<vmem>>, vector<128x512xf32>
      %dot_general3A_274 = arith.constant dense<0.000000e+00> : vector<2x512xf32>
      %dot_general3A_275 = tpu.matmul %concatenate3A_270, %get3A_273, %dot_general3A_274 {dimension_numbers = #tpu.dot_dimension_numbers<[1], [0], [0], [1], [0, 0, 1, 1], [], []>, transpose_lhs_hint = false} : vector<2x128xf32>, vector<128x512xf32>, vector<2x512xf32> -> vector<2x512xf32>
      %get3A_276 = arith.constant 0 : index
      %get3A_277 = arith.constant 0 : index
      %get3A_278 = vector.load %arg6[%get3A_276, %get3A_277] : memref<128x512xf32, #tpu.memory_space<vmem>>, vector<128x512xf32>
      %dot_general3A_279 = arith.constant dense<0.000000e+00> : vector<2x512xf32>
      %dot_general3A_280 = tpu.matmul %mul3A_267, %get3A_278, %dot_general3A_279 {dimension_numbers = #tpu.dot_dimension_numbers<[1], [0], [0], [1], [0, 0, 1, 1], [], []>, transpose_lhs_hint = false} : vector<2x128xf32>, vector<128x512xf32>, vector<2x512xf32> -> vector<2x512xf32>
      %add3A_281 = arith.addf %dot_general3A_275, %dot_general3A_280 : vector<2x512xf32>
      %add3A_282 = vector.broadcast %add3A_51 : vector<1x512xf32> to vector<2x512xf32>
      %add3A_283 = arith.addf %add3A_281, %add3A_282 : vector<2x512xf32>
      %slice3A_284 = vector.extract_strided_slice %add3A_283 {offsets = [0, 0], sizes = [2, 128], strides = [1, 1]} : vector<2x512xf32> to vector<2x128xf32>
      %logistic3A_285 = arith.negf %slice3A_284 : vector<2x128xf32>
      %logistic3A_286 = math.exp %logistic3A_285 : vector<2x128xf32>
      %logistic3A_287 = arith.constant 1.000000e+00 : f32
      %logistic3A_288 = vector.broadcast %logistic3A_287 : f32 to vector<2x128xf32>
      %logistic3A_289 = arith.addf %logistic3A_288, %logistic3A_286 : vector<2x128xf32>
      %logistic3A_290 = arith.divf %logistic3A_288, %logistic3A_289 : vector<2x128xf32>
      %slice3A_291 = vector.extract_strided_slice %add3A_283 {offsets = [0, 128], sizes = [2, 128], strides = [1, 1]} : vector<2x512xf32> to vector<2x128xf32>
      %logistic3A_292 = arith.negf %slice3A_291 : vector<2x128xf32>
      %logistic3A_293 = math.exp %logistic3A_292 : vector<2x128xf32>
      %logistic3A_294 = arith.constant 1.000000e+00 : f32
      %logistic3A_295 = vector.broadcast %logistic3A_294 : f32 to vector<2x128xf32>
      %logistic3A_296 = arith.addf %logistic3A_295, %logistic3A_293 : vector<2x128xf32>
      %logistic3A_297 = arith.divf %logistic3A_295, %logistic3A_296 : vector<2x128xf32>
      %slice3A_298 = vector.extract_strided_slice %add3A_283 {offsets = [0, 256], sizes = [2, 128], strides = [1, 1]} : vector<2x512xf32> to vector<2x128xf32>
      %tanh3A_299 = math.tanh %slice3A_298 : vector<2x128xf32>
      %slice3A_300 = vector.extract_strided_slice %add3A_283 {offsets = [0, 384], sizes = [2, 128], strides = [1, 1]} : vector<2x512xf32> to vector<2x128xf32>
      %logistic3A_301 = arith.negf %slice3A_300 : vector<2x128xf32>
      %logistic3A_302 = math.exp %logistic3A_301 : vector<2x128xf32>
      %logistic3A_303 = arith.constant 1.000000e+00 : f32
      %logistic3A_304 = vector.broadcast %logistic3A_303 : f32 to vector<2x128xf32>
      %logistic3A_305 = arith.addf %logistic3A_304, %logistic3A_302 : vector<2x128xf32>
      %logistic3A_306 = arith.divf %logistic3A_304, %logistic3A_305 : vector<2x128xf32>
      %mul3A_307 = arith.mulf %logistic3A_297, %add3A_265 : vector<2x128xf32>
      %mul3A_308 = arith.mulf %logistic3A_290, %tanh3A_299 : vector<2x128xf32>
      %add3A_309 = arith.addf %mul3A_307, %mul3A_308 : vector<2x128xf32>
      %tanh3A_310 = math.tanh %add3A_309 : vector<2x128xf32>
      %mul3A_311 = arith.mulf %logistic3A_306, %tanh3A_310 : vector<2x128xf32>
      %slice3A_312 = vector.extract_strided_slice %add3A_40 {offsets = [6, 0], sizes = [1, 128], strides = [1, 1]} : vector<16x128xf32> to vector<1x128xf32>
      %slice3A_313 = vector.extract_strided_slice %add3A_40 {offsets = [14, 0], sizes = [1, 128], strides = [1, 1]} : vector<16x128xf32> to vector<1x128xf32>
      %concatenate3A_314 = tpu.concatenate %slice3A_312, %slice3A_313 in 0 : vector<1x128xf32>, vector<1x128xf32> -> vector<2x128xf32>
      %get3A_315 = arith.constant 0 : index
      %get3A_316 = arith.constant 0 : index
      %get3A_317 = vector.load %arg5[%get3A_315, %get3A_316] : memref<128x512xf32, #tpu.memory_space<vmem>>, vector<128x512xf32>
      %dot_general3A_318 = arith.constant dense<0.000000e+00> : vector<2x512xf32>
      %dot_general3A_319 = tpu.matmul %concatenate3A_314, %get3A_317, %dot_general3A_318 {dimension_numbers = #tpu.dot_dimension_numbers<[1], [0], [0], [1], [0, 0, 1, 1], [], []>, transpose_lhs_hint = false} : vector<2x128xf32>, vector<128x512xf32>, vector<2x512xf32> -> vector<2x512xf32>
      %get3A_320 = arith.constant 0 : index
      %get3A_321 = arith.constant 0 : index
      %get3A_322 = vector.load %arg6[%get3A_320, %get3A_321] : memref<128x512xf32, #tpu.memory_space<vmem>>, vector<128x512xf32>
      %dot_general3A_323 = arith.constant dense<0.000000e+00> : vector<2x512xf32>
      %dot_general3A_324 = tpu.matmul %mul3A_311, %get3A_322, %dot_general3A_323 {dimension_numbers = #tpu.dot_dimension_numbers<[1], [0], [0], [1], [0, 0, 1, 1], [], []>, transpose_lhs_hint = false} : vector<2x128xf32>, vector<128x512xf32>, vector<2x512xf32> -> vector<2x512xf32>
      %add3A_325 = arith.addf %dot_general3A_319, %dot_general3A_324 : vector<2x512xf32>
      %add3A_326 = vector.broadcast %add3A_51 : vector<1x512xf32> to vector<2x512xf32>
      %add3A_327 = arith.addf %add3A_325, %add3A_326 : vector<2x512xf32>
      %slice3A_328 = vector.extract_strided_slice %add3A_327 {offsets = [0, 0], sizes = [2, 128], strides = [1, 1]} : vector<2x512xf32> to vector<2x128xf32>
      %logistic3A_329 = arith.negf %slice3A_328 : vector<2x128xf32>
      %logistic3A_330 = math.exp %logistic3A_329 : vector<2x128xf32>
      %logistic3A_331 = arith.constant 1.000000e+00 : f32
      %logistic3A_332 = vector.broadcast %logistic3A_331 : f32 to vector<2x128xf32>
      %logistic3A_333 = arith.addf %logistic3A_332, %logistic3A_330 : vector<2x128xf32>
      %logistic3A_334 = arith.divf %logistic3A_332, %logistic3A_333 : vector<2x128xf32>
      %slice3A_335 = vector.extract_strided_slice %add3A_327 {offsets = [0, 128], sizes = [2, 128], strides = [1, 1]} : vector<2x512xf32> to vector<2x128xf32>
      %logistic3A_336 = arith.negf %slice3A_335 : vector<2x128xf32>
      %logistic3A_337 = math.exp %logistic3A_336 : vector<2x128xf32>
      %logistic3A_338 = arith.constant 1.000000e+00 : f32
      %logistic3A_339 = vector.broadcast %logistic3A_338 : f32 to vector<2x128xf32>
      %logistic3A_340 = arith.addf %logistic3A_339, %logistic3A_337 : vector<2x128xf32>
      %logistic3A_341 = arith.divf %logistic3A_339, %logistic3A_340 : vector<2x128xf32>
      %slice3A_342 = vector.extract_strided_slice %add3A_327 {offsets = [0, 256], sizes = [2, 128], strides = [1, 1]} : vector<2x512xf32> to vector<2x128xf32>
      %tanh3A_343 = math.tanh %slice3A_342 : vector<2x128xf32>
      %slice3A_344 = vector.extract_strided_slice %add3A_327 {offsets = [0, 384], sizes = [2, 128], strides = [1, 1]} : vector<2x512xf32> to vector<2x128xf32>
      %logistic3A_345 = arith.negf %slice3A_344 : vector<2x128xf32>
      %logistic3A_346 = math.exp %logistic3A_345 : vector<2x128xf32>
      %logistic3A_347 = arith.constant 1.000000e+00 : f32
      %logistic3A_348 = vector.broadcast %logistic3A_347 : f32 to vector<2x128xf32>
      %logistic3A_349 = arith.addf %logistic3A_348, %logistic3A_346 : vector<2x128xf32>
      %logistic3A_350 = arith.divf %logistic3A_348, %logistic3A_349 : vector<2x128xf32>
      %mul3A_351 = arith.mulf %logistic3A_341, %add3A_309 : vector<2x128xf32>
      %mul3A_352 = arith.mulf %logistic3A_334, %tanh3A_343 : vector<2x128xf32>
      %add3A_353 = arith.addf %mul3A_351, %mul3A_352 : vector<2x128xf32>
      %tanh3A_354 = math.tanh %add3A_353 : vector<2x128xf32>
      %mul3A_355 = arith.mulf %logistic3A_350, %tanh3A_354 : vector<2x128xf32>
      %slice3A_356 = vector.extract_strided_slice %add3A_40 {offsets = [7, 0], sizes = [1, 128], strides = [1, 1]} : vector<16x128xf32> to vector<1x128xf32>
      %slice3A_357 = vector.extract_strided_slice %add3A_40 {offsets = [15, 0], sizes = [1, 128], strides = [1, 1]} : vector<16x128xf32> to vector<1x128xf32>
      %concatenate3A_358 = tpu.concatenate %slice3A_356, %slice3A_357 in 0 : vector<1x128xf32>, vector<1x128xf32> -> vector<2x128xf32>
      %get3A_359 = arith.constant 0 : index
      %get3A_360 = arith.constant 0 : index
      %get3A_361 = vector.load %arg5[%get3A_359, %get3A_360] : memref<128x512xf32, #tpu.memory_space<vmem>>, vector<128x512xf32>
      %dot_general3A_362 = arith.constant dense<0.000000e+00> : vector<2x512xf32>
      %dot_general3A_363 = tpu.matmul %concatenate3A_358, %get3A_361, %dot_general3A_362 {dimension_numbers = #tpu.dot_dimension_numbers<[1], [0], [0], [1], [0, 0, 1, 1], [], []>, transpose_lhs_hint = false} : vector<2x128xf32>, vector<128x512xf32>, vector<2x512xf32> -> vector<2x512xf32>
      %get3A_364 = arith.constant 0 : index
      %get3A_365 = arith.constant 0 : index
      %get3A_366 = vector.load %arg6[%get3A_364, %get3A_365] : memref<128x512xf32, #tpu.memory_space<vmem>>, vector<128x512xf32>
      %dot_general3A_367 = arith.constant dense<0.000000e+00> : vector<2x512xf32>
      %dot_general3A_368 = tpu.matmul %mul3A_355, %get3A_366, %dot_general3A_367 {dimension_numbers = #tpu.dot_dimension_numbers<[1], [0], [0], [1], [0, 0, 1, 1], [], []>, transpose_lhs_hint = false} : vector<2x128xf32>, vector<128x512xf32>, vector<2x512xf32> -> vector<2x512xf32>
      %add3A_369 = arith.addf %dot_general3A_363, %dot_general3A_368 : vector<2x512xf32>
      %add3A_370 = vector.broadcast %add3A_51 : vector<1x512xf32> to vector<2x512xf32>
      %add3A_371 = arith.addf %add3A_369, %add3A_370 : vector<2x512xf32>
      %slice3A_372 = vector.extract_strided_slice %add3A_371 {offsets = [0, 0], sizes = [2, 128], strides = [1, 1]} : vector<2x512xf32> to vector<2x128xf32>
      %logistic3A_373 = arith.negf %slice3A_372 : vector<2x128xf32>
      %logistic3A_374 = math.exp %logistic3A_373 : vector<2x128xf32>
      %logistic3A_375 = arith.constant 1.000000e+00 : f32
      %logistic3A_376 = vector.broadcast %logistic3A_375 : f32 to vector<2x128xf32>
      %logistic3A_377 = arith.addf %logistic3A_376, %logistic3A_374 : vector<2x128xf32>
      %logistic3A_378 = arith.divf %logistic3A_376, %logistic3A_377 : vector<2x128xf32>
      %slice3A_379 = vector.extract_strided_slice %add3A_371 {offsets = [0, 128], sizes = [2, 128], strides = [1, 1]} : vector<2x512xf32> to vector<2x128xf32>
      %logistic3A_380 = arith.negf %slice3A_379 : vector<2x128xf32>
      %logistic3A_381 = math.exp %logistic3A_380 : vector<2x128xf32>
      %logistic3A_382 = arith.constant 1.000000e+00 : f32
      %logistic3A_383 = vector.broadcast %logistic3A_382 : f32 to vector<2x128xf32>
      %logistic3A_384 = arith.addf %logistic3A_383, %logistic3A_381 : vector<2x128xf32>
      %logistic3A_385 = arith.divf %logistic3A_383, %logistic3A_384 : vector<2x128xf32>
      %slice3A_386 = vector.extract_strided_slice %add3A_371 {offsets = [0, 256], sizes = [2, 128], strides = [1, 1]} : vector<2x512xf32> to vector<2x128xf32>
      %tanh3A_387 = math.tanh %slice3A_386 : vector<2x128xf32>
      %slice3A_388 = vector.extract_strided_slice %add3A_371 {offsets = [0, 384], sizes = [2, 128], strides = [1, 1]} : vector<2x512xf32> to vector<2x128xf32>
      %logistic3A_389 = arith.negf %slice3A_388 : vector<2x128xf32>
      %logistic3A_390 = math.exp %logistic3A_389 : vector<2x128xf32>
      %logistic3A_391 = arith.constant 1.000000e+00 : f32
      %logistic3A_392 = vector.broadcast %logistic3A_391 : f32 to vector<2x128xf32>
      %logistic3A_393 = arith.addf %logistic3A_392, %logistic3A_390 : vector<2x128xf32>
      %logistic3A_394 = arith.divf %logistic3A_392, %logistic3A_393 : vector<2x128xf32>
      %mul3A_395 = arith.mulf %logistic3A_385, %add3A_353 : vector<2x128xf32>
      %mul3A_396 = arith.mulf %logistic3A_378, %tanh3A_387 : vector<2x128xf32>
      %add3A_397 = arith.addf %mul3A_395, %mul3A_396 : vector<2x128xf32>
      %tanh3A_398 = math.tanh %add3A_397 : vector<2x128xf32>
      %mul3A_399 = arith.mulf %logistic3A_394, %tanh3A_398 : vector<2x128xf32>
      %get3A_400 = arith.constant 0 : index
      %get3A_401 = arith.constant 0 : index
      %get3A_402 = vector.load %arg9[%get3A_400, %get3A_401] : memref<128x16xf32, #tpu.memory_space<vmem>>, vector<128x16xf32>
      %dot_general3A_403 = arith.constant dense<0.000000e+00> : vector<2x16xf32>
      %dot_general3A_404 = tpu.matmul %mul3A_399, %get3A_402, %dot_general3A_403 {dimension_numbers = #tpu.dot_dimension_numbers<[1], [0], [0], [1], [0, 0, 1, 1], [], []>, transpose_lhs_hint = false} : vector<2x128xf32>, vector<128x16xf32>, vector<2x16xf32> -> vector<2x16xf32>
      %get3A_405 = arith.constant 0 : index
      %get3A_406 = arith.constant 0 : index
      %get3A_407 = vector.load %arg10[%get3A_405, %get3A_406] : memref<1x16xf32, #tpu.memory_space<vmem>>, vector<1x16xf32>
      %add3A_408 = vector.broadcast %get3A_407 : vector<1x16xf32> to vector<2x16xf32>
      %add3A_409 = arith.addf %dot_general3A_404, %add3A_408 : vector<2x16xf32>
      %swap3A_410 = arith.constant 0 : index
      %swap3A_411 = arith.constant 0 : index
      %swap3A_412 = vector.load %arg11[%swap3A_410, %swap3A_411] : memref<2x16xf32, #tpu.memory_space<vmem>>, vector<2x16xf32>
      tpu.vector_store %arg11[%swap3A_410, %swap3A_411], %add3A_409 {strides = array<i32>} : memref<2x16xf32, #tpu.memory_space<vmem>>, vector<2x16xf32>,
    } else {
    }
    return
  }
  func.func @transform_0(%arg0: i32) -> (i32, i32, i32) {
    %c0_i32 = arith.constant 0 : i32
    %c0_i32_0 = arith.constant 0 : i32
    %c0_i32_1 = arith.constant 0 : i32
    return %c0_i32, %arg0, %c0_i32_0 : i32, i32, i32
  }
  func.func @transform_1(%arg0: i32) -> (i32, i32, i32, i32) {
    %c0_i32 = arith.constant 0 : i32
    %c0_i32_0 = arith.constant 0 : i32
    %c0_i32_1 = arith.constant 0 : i32
    %c0_i32_2 = arith.constant 0 : i32
    return %c0_i32, %arg0, %c0_i32_0, %c0_i32_1 : i32, i32, i32, i32
  }
  func.func @transform_2(%arg0: i32) -> (i32, i32) {
    %c0_i32 = arith.constant 0 : i32
    %c0_i32_0 = arith.constant 0 : i32
    %c0_i32_1 = arith.constant 0 : i32
    return %c0_i32, %c0_i32_0 : i32, i32
  }
  func.func @transform_3(%arg0: i32) -> (i32, i32) {
    %c0_i32 = arith.constant 0 : i32
    %c0_i32_0 = arith.constant 0 : i32
    %c0_i32_1 = arith.constant 0 : i32
    return %c0_i32, %c0_i32_0 : i32, i32
  }
  func.func @transform_4(%arg0: i32) -> (i32, i32) {
    %c0_i32 = arith.constant 0 : i32
    %c0_i32_0 = arith.constant 0 : i32
    %c0_i32_1 = arith.constant 0 : i32
    return %c0_i32, %c0_i32_0 : i32, i32
  }
  func.func @transform_5(%arg0: i32) -> (i32, i32) {
    %c0_i32 = arith.constant 0 : i32
    %c0_i32_0 = arith.constant 0 : i32
    %c0_i32_1 = arith.constant 0 : i32
    return %c0_i32, %c0_i32_0 : i32, i32
  }
  func.func @transform_6(%arg0: i32) -> (i32, i32) {
    %c0_i32 = arith.constant 0 : i32
    %c0_i32_0 = arith.constant 0 : i32
    %c0_i32_1 = arith.constant 0 : i32
    return %c0_i32, %c0_i32_0 : i32, i32
  }
  func.func @transform_7(%arg0: i32) -> (i32, i32) {
    %c0_i32 = arith.constant 0 : i32
    %c0_i32_0 = arith.constant 0 : i32
    %c0_i32_1 = arith.constant 0 : i32
    return %c0_i32, %c0_i32_0 : i32, i32
  }
  func.func @transform_8(%arg0: i32) -> (i32, i32) {
    %c0_i32 = arith.constant 0 : i32
    %c0_i32_0 = arith.constant 0 : i32
    %c0_i32_1 = arith.constant 0 : i32
    return %c0_i32, %c0_i32_0 : i32, i32
  }
  func.func @transform_9(%arg0: i32) -> (i32, i32) {
    %c0_i32 = arith.constant 0 : i32
    %c0_i32_0 = arith.constant 0 : i32
    %c0_i32_1 = arith.constant 0 : i32
    return %c0_i32, %c0_i32_0 : i32, i32
  }
  func.func @transform_10(%arg0: i32) -> (i32, i32) {
    %c0_i32 = arith.constant 0 : i32
    %c0_i32_0 = arith.constant 0 : i32
    %c0_i32_1 = arith.constant 0 : i32
    return %c0_i32, %c0_i32_0 : i32, i32
  }
}

</mosaic_0001>

<sc_bundles>
// kernel: kernel.6.cloned.1.call-start
scs
__scs_entry_jumppad:
0x0: {  	(pc) =	sbr.rel $0x88, $3  }
0x1: {  	(tag) =	ssettag $0x0;
	lr =	simm.s32 $0x1  }
0x2: {  	[smem:$0x3F97] =	sst lr;
	_ =	strace $0xD0000000  }
0x3: {  	_ = 	snop  }
0x4: {  	_ = 	snop  }
0x5: {  	_ = 	snop  }
0x6: {  	_ = 	snop  }
0x7: {  	_ = 	snop  }
__scs_overlays_trampoline_lowered:
0x8: {  	[smem:$0x3FA6] =	sst s0  }
0x9: {  	[smem:$0x3FA7] =	sst s1  }
0xa: {  	[smem:$0x3FA8] =	sst s2  }
0xb: {  	[smem:$0x3FA9] =	sst s3  }
0xc: {  	[smem:$0x3FAA] =	sst s4  }
0xd: {  	[smem:$0x3FAB] =	sst s5  }
0xe: {  	[smem:$0x3FAC] =	sst s6  }
0xf: {  	[smem:$0x3FAD] =	sst s7  }
0x10: {  	[smem:$0x3FAE] =	sst s8  }
0x11: {  	[smem:$0x3FAF] =	sst s9;
	s0 =	simm.s32 @!p0 $0x0  }
0x12: {  	s1 =	sld [smem:$0x3F95];
	s0 =	simm.s32 @p0 $0x1  }
0x13: {  	[smem:$0x3FB0] =	sst s0;
	s0 =	simm.s32 @!p1 $0x0  }
0x14: {  	s2 =	sld [smem:$0x3F94];
	s0 =	simm.s32 @p1 $0x1  }
0x15: {  	[smem:$0x3FB1] =	sst s0;
	s0 =	simm.s32 @!p2 $0x0  }
0x16: {  	s3 =	sld [smem:$0x3FDB];
	s0 =	simm.s32 @p2 $0x1  }
0x17: {  	s4 =	simm.s32 $0x1BF5;
	[smem:$0x3FB3] =	sst s0  }
0x18: {  	s0 =	sld [smem:$0x3F96];
	_ =	swait.ge [sflag:s4], $0x0  }
0x19: {  	s7 =	sld [smem:$0x3F97]  }
0x1a: {  	s8 =	sadd.s32 $0xFFFFE003, lr  }
0x1b: {  	s9 =	sadd.s32 $0xFFFFFEF7, lr;
	s5 =	simm.s32 $0xFFFFFFFF;
	p2 =	slt.u32 s8, $0xFFFFF086  }
0x1c: {  	p1 =	slt.u32 s9, $0xF7A;
	s5 =	simm.s32 @!p2 $0x0  }
0x1d: {  	s5 =	simm.s32 @p1 $0x1;
	p0 =	seq.s32 s7, s2  }
0x1e: {  	s7 =	smul.u32 @!p0 $0xF7A, s2;
	p2 =	seq.s32 @!p0 s5, $0x0  }
0x1f: {  	s9 =	smul.u32 $0xF7A, s1;
	s8 =	simm.s32 @!p0 $0x1BF5;
	p2 =	por !p2, p0  }
0x20: {  	[sflag:s8] =	ssyncset.s32 @!p0 $0xFFFFF086;
	s6 =	sadd.s32 @!p0 s3, s7;
	s7 =	simm.s32 @!p0 $0x108  }
0x21: {  	s3 =	sadd.s32 s3, s9;
	s6 =	sadd.s32 @!p0 $0x88, s6;
	s7 =	simm.s32 @p2 $0x1082  }
0x22: {  	[simem:s7], [sflag:s8] =	dma.local @!p0 [hbm:s6], $0xF7A  }
0x23: {  	s9 =	sor.u32 $0xD0000000, s2;
	s6 =	simm.s32 $0x108;
	_ =	swait.ge @!p0 [sflag:s8], $0x0  }
0x24: {  	s3 =	sadd.s32 $0x88, s3;
	s6 =	simm.s32 @!p1 $0x1082;
	[sflag:s4] =	ssyncset.s32 $0xFFFFF086  }
0x25: {  	[simem:s6], [sflag:s4] =	dma.local [hbm:s3], $0xF7A  }
0x26: {  	[smem:$0x3F97] =	sst s1;
	(tag) =	ssettag s2;
	_ =	strace s9  }
0x27: {  	s1 =	sld [smem:$0x3FA7]  }
0x28: {  	s2 =	sld [smem:$0x3FA8]  }
0x29: {  	s4 =	sld [smem:$0x3FAA]  }
0x2a: {  	p0 =	seq.s32 s5, $0x0;
	s5 =	sld [smem:$0x3FAB]  }
0x2b: {  	s6 =	sld [smem:$0x3FAC]  }
0x2c: {  	s7 =	sld [smem:$0x3FAD]  }
0x2d: {  	s3 =	simm.s32 $0x108;
	s8 =	sld [smem:$0x3FAE]  }
0x2e: {  	s3 =	simm.s32 @!p0 $0x1082;
	s9 =	sld [smem:$0x3FAF]  }
0x2f: {  	lr =	sadd.s32 s0, s3;
	s0 =	sld [smem:$0x3FA6]  }
0x30: {  	s3 =	sld [smem:$0x3FA9]  }
0x31: {  	[smem:$0x3FB2] =	sst s10  }
0x32: {  	s10 =	sld [smem:$0x3FB0];
	_ =	sdelay $0x3  }
0x33: {  	p0 =	seq.s32 s10, $0x1;
	s10 =	sld [smem:$0x3FB2];
	_ =	sdelay $0x3  }
0x34: {  	[smem:$0x3FB2] =	sst s10  }
0x35: {  	s10 =	sld [smem:$0x3FB1];
	_ =	sdelay $0x3  }
0x36: {  	p1 =	seq.s32 s10, $0x1;
	s10 =	sld [smem:$0x3FB2];
	_ =	sdelay $0x3  }
0x37: {  	[smem:$0x3FB2] =	sst s10  }
0x38: {  	s10 =	sld [smem:$0x3FB3]  }
0x39: {  	_ = 	snop;
	(pc) =	sbr.ind lr, $3  }
0x3a: {  	_ = 	snop  }
0x3b: {  	_ = 	snop  }
0x3c: {  	p2 =	seq.s32 s10, $0x1;
	s10 =	sld [smem:$0x3FB2]  }
0x3d: {  	_ =	shalt  }
0x3e: {  	_ =	shalt  }
0x3f: {  	_ =	shalt  }
0x40: {  	_ =	shalt  }
0x41: {  	_ =	shalt  }
0x42: {  	_ =	shalt  }
0x43: {  	_ =	shalt  }
0x44: {  	_ =	shalt  }
0x45: {  	_ =	shalt  }
0x46: {  	_ =	shalt  }
0x47: {  	_ =	shalt  }
0x48: {  	_ =	shalt  }
0x49: {  	_ =	shalt  }
0x4a: {  	_ =	shalt  }
0x4b: {  	_ =	shalt  }
0x4c: {  	_ =	shalt  }
0x4d: {  	_ =	shalt  }
0x4e: {  	_ =	shalt  }
0x4f: {  	_ =	shalt  }
0x50: {  	_ =	shalt  }
0x51: {  	_ =	shalt  }
0x52: {  	_ =	shalt  }
0x53: {  	_ =	shalt  }
0x54: {  	_ =	shalt  }
0x55: {  	_ =	shalt  }
0x56: {  	_ =	shalt  }
0x57: {  	_ =	shalt  }
0x58: {  	_ =	shalt  }
0x59: {  	_ =	shalt  }
0x5a: {  	_ =	shalt  }
0x5b: {  	_ =	shalt  }
0x5c: {  	_ =	shalt  }
0x5d: {  	_ =	shalt  }
0x5e: {  	_ =	shalt  }
0x5f: {  	_ =	shalt  }
0x60: {  	_ =	shalt  }
0x61: {  	_ =	shalt  }
0x62: {  	_ =	shalt  }
0x63: {  	_ =	shalt  }
0x64: {  	_ =	shalt  }
0x65: {  	_ =	shalt  }
0x66: {  	_ =	shalt  }
0x67: {  	_ =	shalt  }
0x68: {  	_ =	shalt  }
0x69: {  	_ =	shalt  }
0x6a: {  	_ =	shalt  }
0x6b: {  	_ =	shalt  }
0x6c: {  	_ =	shalt  }
0x6d: {  	_ =	shalt  }
0x6e: {  	_ =	shalt  }
0x6f: {  	_ =	shalt  }
0x70: {  	_ =	shalt  }
0x71: {  	_ =	shalt  }
0x72: {  	_ =	shalt  }
0x73: {  	_ =	shalt  }
0x74: {  	_ =	shalt  }
0x75: {  	_ =	shalt  }
0x76: {  	_ =	shalt  }
0x77: {  	_ =	shalt  }
0x78: {  	_ =	shalt  }
0x79: {  	_ =	shalt  }
0x7a: {  	_ =	shalt  }
0x7b: {  	_ =	shalt  }
0x7c: {  	_ =	shalt  }
0x7d: {  	_ =	shalt  }
0x7e: {  	_ =	shalt  }
0x7f: {  	_ =	shalt  }
0x80: {  	_ =	shalt  }
0x81: {  	_ =	shalt  }
0x82: {  	_ =	shalt  }
0x83: {  	_ =	shalt  }
0x84: {  	_ =	shalt  }
0x85: {  	_ =	shalt  }
0x86: {  	_ =	shalt  }
0x87: {  	_ =	shalt  }
.Lfunc_end0:
.L_simem_size_0:
called_computation_lowered:
.L_overlay_start_0:
0x88: {  	s2 =	sld [smem:$0x3FD9]  }
0x89: {  	s3 =	sld [smem:$0x3FFE];
	_ =	sdelay $0x1  }
0x8a: {  	s1 =	srdreg.scid  }
0x8b: {  	s0 =	sand.u32 $0x1, s1  }
0x8c: {  	s16 =	sshll.u32 s0, $0xA;
	s2 =	sadd.s32 s3, s2  }
0x8d: {  	s2 =	sadd.s32 s2, s16  }
0x8e: {  	[smem:$0x3FBE] =	sst s2  }
0x8f: {  	_ = 	snop  }
0x90: {  	(tm) =	ssettm $0x1  }
0x91: {  	s17 =	sld [smem:$0x3FFB];
	_ =	sdelay $0x3  }
0x92: {  	_ =	strace s17  }
0x93: {  	s2 =	sld [smem:$0x3FFC];
	_ =	sdelay $0x3  }
0x94: {  	_ =	strace s2  }
0x95: {  	s2 =	sld [smem:$0x3FFD];
	_ =	sdelay $0x3  }
0x96: {  	_ =	strace s2  }
0x97: {  	_ =	strace $0x8FFFFFFF  }
0x98: {  	s18 =	sld [smem:$0x3FDB];
	_ =	sdelay $0x1  }
0x99: {  	s19 =	simm.s32 $_scs_section_size  }
0x9a: {  	s4 =	simm.s32 $_size__tile_overlayer_lowered;
	s5 =	simm.s32 $_tile_overlayer_lowered  }
0x9b: {  	s22 =	simm.s32 $0x1BFF;
	s21 =	sshll.u32 s5, $0x1;
	s2 =	sadd.s32 s19, s18  }
0x9c: {  	s6 =	simm.s32 $0x0;
	s20 =	sshll.u32 s4, $0x1;
	s4 =	sadd.s32 s21, s2  }
0x9d: {  	[timem:s6], [sflag:s22] =	dma.local [hbm:s4], s20  }
0x9e: {  	_ =	swait.ge [sflag:s22], s20  }
0x9f: {  	s3 =	ssub.s32 $0x0, s20;
	[sflag:s22] =	ssyncset.done $0x0  }
0xa0: {  	[sflag:s22] =	ssyncadd.s32 s3;
	_ =	sdelay $0x1  }
0xa1: {  	s23 =	simm.s32 $0x1B8B  }
0xa2: {  	_ =	swait.ge [sflag:s23], $0x1  }
0xa3: {  	[sflag:s23] =	ssyncset.done $0x0  }
0xa4: {  	s25 =	simm.s32 $0x1B8E;
	s24 =	sld [smem:$0x3FFE];
	[sflag:s23] =	ssyncadd.s32 $0xFFFFFFFF  }
0xa5: {  	s26 =	simm.s32 $execute0_lowered;
	[smem:$0x3FD2] =	sst s25  }
0xa6: {  	s4 =	sshll.u32 s26, $0x1;
	_ =	strace $0x80000046;
	[dreg:$0x1] =	wrdreg $0xFFFFFFFF  }
0xa7: {  	s28 =	simm.s32 $_size_execute0_lowered;
	s2 =	sadd.s32 s2, s4;
	[dreg:$0x0] =	wrdreg $0x0  }
0xa8: {  	s4 =	sshll.u32 s28, $0x1;
	[dreg:$0x2] =	wrdreg s2  }
0xa9: {  	[dreg:$0x3] =	wrdreg s4  }
0xaa: {  	[dreg:$0x4] =	wrdreg $0xC0  }
0xab: {  	_ =	task [dreg:s6], $0x5FFFF  }
0xac: {  	[dreg:$0x1] =	wrdreg $0xFFFFFFFF  }
0xad: {  	[dreg:$0x0] =	wrdreg $0x60  }
0xae: {  	[dreg:$0x2] =	wrdreg s24  }
0xaf: {  	[dreg:$0x3] =	wrdreg $0x9  }
0xb0: {  	_ =	task.clear_ibuf [dreg:s6], $0x4FFFF;
	_ =	strace $0x90000046  }
0xb1: {  	s29 =	simm.s32 $0x9;
	_ =	strace $0x80000048  }
0xb2: {  	_ =	swait.ge [sflag:s29], $0x1  }
0xb3: {  	[sflag:s29] =	ssyncadd.s32 $0xFFFFFFFF  }
0xb4: {  	_ =	strace $0x90000048  }
0xb5: {  	_ =	sfence  }
0xb6: {  	s30 =	sld [smem:$0x0];
	_ =	sdelay $0x2  }
0xb7: {  	s31 =	sshll.u32 s1, $0xD;
	s1 =	sshrl.u32 s1, $0x2  }
0xb8: {  	s3 =	sand.u32 $0x4000, s31;
	s1 =	sadd.s32 s1, s30  }
0xb9: {  	s0 =	sor.u32 s3, s0;
	s1 =	sshll.u32 s1, $0x11  }
0xba: {  	s0 =	sor.u32 s1, s0  }
0xbb: {  	s0 =	sadd.s32 $0x8F2B, s0  }
0xbc: {  	[sflag:s0] =	ssyncadd.remote.s32 $0x1  }
0xbd: {  	_ =	sfence.sel $0xFFFF  }
0xbe: {  	[dreg:$0x0] =	wrdreg $0xFFFFFFFF;
	(pc) =	sbr.abs _section_cstart, $3  }
0xbf: {  	[dreg:$0x1] =	wrdreg $0xFFFFFFFF  }
0xc0: {  	_ =	task.clear_ibuf [dreg:s6], $0x2FFFF;
	_ =	strace $0x9FFFFFFF  }
0xc1: {  	(tm) =	ssettm $0x7FFFFFFF  }
tec
execute0_lowered:
.L_overlay_start_1:
0x0: {  	(tag) =	ssettag $0x1  }
0x1: {  	s1 =	srdreg.scid  }
0x2: {  	s0 =	stileid.u32;
	s5 =	rddreg [dreg:$0x0]  }
0x3: {  	s2 =	simm.s32 $0x0;
	s8 =	simm.s32 $0x80;
	s9 =	simm.s32 $0x400  }
0x4: {  	s10 =	simm.s32 $0x0;
	s3 =	sand.u32 $0x1, s1;
	s29 =	sshll.u32 s0, $0x1  }
0x5: {  	s30 =	sshrl.u32 s0, $0x2;
	s1 =	rddreg [dreg:$0x1];
	s4 =	sor.u32 s3, s29  }
0x6: {  	[smem:$0x7FF] =	sst s2;
	s6 =	smul.u32 $0x13C00, s30;
	s7 =	sshll.u32 s4, $0x7  }
0x7: {  	s3 =	ssub.s32 $0x2, s3;
	s4 =	smul.u32 $0x4E2, s4;
	s7 =	sand.u32 $0x380, s7  }
0x8: {  	_ =	strace $0x80000047;
	s31 =	sshrl.u32 s3, $0x1;
	s6 =	sor.u32 s6, s7  }
0x9: {  	s4 =	sadd.s32 s4, s5;
	s7 =	simm.s32 $0x2780;
	s6 =	sshrl.u32 s6, $0x3  }
0xa: {  	s5 =	sadd.s32 s6, s5;
	s6 =	ssub.s32 s3, s31;
	s3 =	sadd.s32 $0xC00, s4  }
0xb: {  	v0 =	vimm.f32 $0.0e+00;
	v1 =	vimm.f32 $1.000000000e+00;
	s4 =	sadd.s32 $0x14800, s5;
	s5 =	smax.u32 s6, $0x1;
	s6 =	simm.s32 $0x1  }
.LBB2_1:
0xc: {  	[tilespmem:s2], [sflag:$0x1] =	stream.linear.gather [hbm4b:s3+s2], $0x2710, $0x38;
	[tilespmem:$0x4F00] =	vst v63  }
0xd: {  	_ =	swait.ge [sflag:s6], $0x2710  }
0xe: {  	[sflag:s6] =	ssyncset.done $0x0  }
0xf: {  	s12 =	simm.s32 $0x27C0;
	[sflag:s6] =	ssyncadd.s32 $0xFFFFD8F0  }
0x10: {  	[tilespmem:s12+$0xFFFFFFC0] =	vst v0  }
0x11: {  	[tilespmem:s12+$0x30] =	vst v0  }
0x12: {  	[tilespmem:s12+$0x20] =	vst v0  }
0x13: {  	[tilespmem:s12+$0x10] =	vst v0  }
0x14: {  	[tilespmem:s12+$0x0] =	vst v0  }
0x15: {  	[tilespmem:s12+$0xFFFFFFF0] =	vst v0  }
0x16: {  	s13 =	simm.s32 $0x0;
	[tilespmem:s12+$0xFFFFFFE0] =	vst v0  }
.LBB2_2:
0x17: {  	s13 =	sadd.s32 $0x8, s13;
	[tilespmem:s12+$0xFFFFFFD0] =	vst v0;
	s12 =	sadd.s32 $0x80, s12;
	s11 =	simm.s32 $0x40  }
0x18: {  	[tilespmem:s12+$0xFFFFFFC0] =	vst v0;
	p0 =	slt.u32 s13, $0x270  }
0x19: {  	[tilespmem:s12+$0x30] =	vst v0  }
.Ltmp0:
0x1a: {  	[tilespmem:s12+$0x20] =	vst v0;
	(pc) =	sbr.rel @p0 .LBB2_2-.Ltmp0, $4  }
0x1b: {  	[tilespmem:s12+$0x10] =	vst v0  }
0x1c: {  	[tilespmem:s12+$0x0] =	vst v0  }
0x1d: {  	[tilespmem:s12+$0xFFFFFFF0] =	vst v0  }
0x1e: {  	[tilespmem:s12+$0xFFFFFFE0] =	vst v0  }
0x1f: {  	[tilespmem:s12+$0xFFFFFFD0] =	vst v0  }
0x20: {  	v3 =	vld [tilespmem:s11+$0xFFFFFFC0]  }
0x21: {  	v4 =	vld [tilespmem:s11+$0x30]  }
0x22: {  	v5 =	vld [tilespmem:s11+$0x20]  }
0x23: {  	v6 =	vld [tilespmem:s11+$0x10]  }
0x24: {  	v7 =	vld [tilespmem:s11+$0x0]  }
0x25: {  	v8 =	vld [tilespmem:s11+$0xFFFFFFF0]  }
0x26: {  	v9 =	vld [tilespmem:s11+$0xFFFFFFE0]  }
0x27: {  	v2 =	vld [tilespmem:s11+$0xFFFFFFD0]  }
0x28: {  	[tilespmem:v3+s7+$0x0] =	vst.idx.add.f32.msk $0xffff, v1  }
0x29: {  	[tilespmem:v4+s7+$0x0] =	vst.idx.add.f32.msk $0xffff, v1  }
0x2a: {  	[tilespmem:v5+s7+$0x0] =	vst.idx.add.f32.msk $0xffff, v1  }
0x2b: {  	[tilespmem:v6+s7+$0x0] =	vst.idx.add.f32.msk $0xffff, v1  }
0x2c: {  	[tilespmem:v7+s7+$0x0] =	vst.idx.add.f32.msk $0xffff, v1  }
0x2d: {  	[tilespmem:v8+s7+$0x0] =	vst.idx.add.f32.msk $0xffff, v1  }
0x2e: {  	s12 =	simm.s32 $0x0;
	[tilespmem:v9+s7+$0x0] =	vst.idx.add.f32.msk $0xffff, v1  }
.LBB2_4:
0x2f: {  	s12 =	sadd.s32 $0x8, s12;
	[tilespmem:v2+s7+$0x0] =	vst.idx.add.f32.msk $0xffff, v1;
	s11 =	sadd.s32 $0x80, s11  }
0x30: {  	v3 =	vld [tilespmem:s11+$0xFFFFFFC0];
	p0 =	slt.u32 s12, $0x268  }
0x31: {  	v4 =	vld [tilespmem:s11+$0x30]  }
0x32: {  	v5 =	vld [tilespmem:s11+$0x20]  }
0x33: {  	v6 =	vld [tilespmem:s11+$0x10]  }
0x34: {  	v7 =	vld [tilespmem:s11+$0x0]  }
0x35: {  	v8 =	vld [tilespmem:s11+$0xFFFFFFF0]  }
0x36: {  	v9 =	vld [tilespmem:s11+$0xFFFFFFE0]  }
0x37: {  	v2 =	vld [tilespmem:s11+$0xFFFFFFD0]  }
0x38: {  	[tilespmem:v3+s7+$0x0] =	vst.idx.add.f32.msk $0xffff, v1  }
0x39: {  	[tilespmem:v4+s7+$0x0] =	vst.idx.add.f32.msk $0xffff, v1  }
.Ltmp1:
0x3a: {  	[tilespmem:v5+s7+$0x0] =	vst.idx.add.f32.msk $0xffff, v1;
	(pc) =	sbr.rel @p0 .LBB2_4-.Ltmp1, $4  }
0x3b: {  	[tilespmem:v6+s7+$0x0] =	vst.idx.add.f32.msk $0xffff, v1  }
0x3c: {  	[tilespmem:v7+s7+$0x0] =	vst.idx.add.f32.msk $0xffff, v1  }
0x3d: {  	[tilespmem:v8+s7+$0x0] =	vst.idx.add.f32.msk $0xffff, v1  }
0x3e: {  	[tilespmem:v9+s7+$0x0] =	vst.idx.add.f32.msk $0xffff, v1  }
0x3f: {  	_ =	sdelay $0x3  }
0x40: {  	[tilespmem:v2+s7+$0x0] =	vst.idx.add.f32.msk $0xffff, v1  }
0x41: {  	v2 =	vld [tilespmem:$0x2700];
	_ =	sdelay $0x5  }
0x42: {  	s10 =	sadd.s32 $0x1, s10  }
0x43: {  	p0 =	sne.s32 s10, s5  }
.Ltmp2:
0x44: {  	[tilespmem:v2+s7+$0x0] =	vst.idx.add.f32.msk $0xffff, v1;
	(pc) =	sbr.rel @p0 .LBB2_1-.Ltmp2, $4  }
0x45: {  	[hbm4b:s4+s8] =	stream.strided.scatter [tilespmem:s7], [sflag:$0x1], $0x2780, s9, s8, $0x38;
	[tilespmem:$0x4F00] =	vst v63  }
0x46: {  	_ =	swait.ge [sflag:s6], $0x2780  }
0x47: {  	[sflag:s6] =	ssyncset.done $0x0  }
0x48: {  	[sflag:s6] =	ssyncadd.s32 $0xFFFFD880  }
0x49: {  	_ =	sfence.sel $0x180000  }
0x4a: {  	[bflag:$0x0] =	sbarrier.arrive $0xFFFF  }
0x4b: {  	p0 =	sne.s32 s0, $0x0;
	_ =	strace $0x90000047  }
0x4c: {  	s0 =	sadd.s32 @!p0 $0x100000, s1;
	[bflag:$0x2] =	sbarrier.arrive $0xFFFF  }
0x4d: {  	[sflag:s0] =	ssyncadd.tile.s32 @!p0 $0x1;
	_ =	shalt  }
.Lfunc_end2:
_tile_overlayer_lowered:
.L_overlay_start_2:
0x4e: {  	(tag) =	ssettag $0x2  }
0x4f: {  	s0 =	rddreg [dreg:$0x0];
	s2 =	stileid.u32  }
0x50: {  	s1 =	rddreg [dreg:$0x1];
	p0 =	sne.s32 s2, $0x0  }
0x51: {  	s3 =	rddreg [dreg:$0x2];
	[bflag:$0x3] =	sbarrier.arrive $0xFFFF;
	s2 =	simm.s32 @!p0 $0x1C01  }
0x52: {  	[timem:s3], [sflag:s2] =	dma.local @!p0 [hbm:s0], s1  }
0x53: {  	s0 =	simm.s32 @!p0 $0x1  }
0x54: {  	_ =	swait.ge @!p0 [sflag:s0], s1  }
0x55: {  	s1 =	ssub.s32 @!p0 $0x0, s1;
	[sflag:s0] =	ssyncset.done @!p0 $0x0  }
0x56: {  	[sflag:s0] =	ssyncadd.s32 @!p0 s1  }
0x57: {  	[bflag:$0x3] =	sbarrier.arrive $0xFFFF  }
0x58: {  	_ =	shalt  }

// kernel: kernel.9.cloned.1.call-start
scs
__scs_entry_jumppad:
0x0: {  	(pc) =	sbr.rel $0x88, $3  }
0x1: {  	(tag) =	ssettag $0x0;
	lr =	simm.s32 $0x1  }
0x2: {  	[smem:$0x3F97] =	sst lr;
	_ =	strace $0xD0000000  }
0x3: {  	_ = 	snop  }
0x4: {  	_ = 	snop  }
0x5: {  	_ = 	snop  }
0x6: {  	_ = 	snop  }
0x7: {  	_ = 	snop  }
__scs_overlays_trampoline_lowered:
0x8: {  	[smem:$0x3FA6] =	sst s0  }
0x9: {  	[smem:$0x3FA7] =	sst s1  }
0xa: {  	[smem:$0x3FA8] =	sst s2  }
0xb: {  	[smem:$0x3FA9] =	sst s3  }
0xc: {  	[smem:$0x3FAA] =	sst s4  }
0xd: {  	[smem:$0x3FAB] =	sst s5  }
0xe: {  	[smem:$0x3FAC] =	sst s6  }
0xf: {  	[smem:$0x3FAD] =	sst s7  }
0x10: {  	[smem:$0x3FAE] =	sst s8  }
0x11: {  	[smem:$0x3FAF] =	sst s9;
	s0 =	simm.s32 @!p0 $0x0  }
0x12: {  	s1 =	sld [smem:$0x3F95];
	s0 =	simm.s32 @p0 $0x1  }
0x13: {  	[smem:$0x3FB0] =	sst s0;
	s0 =	simm.s32 @!p1 $0x0  }
0x14: {  	s2 =	sld [smem:$0x3F94];
	s0 =	simm.s32 @p1 $0x1  }
0x15: {  	[smem:$0x3FB1] =	sst s0;
	s0 =	simm.s32 @!p2 $0x0  }
0x16: {  	s3 =	sld [smem:$0x3FDB];
	s0 =	simm.s32 @p2 $0x1  }
0x17: {  	s4 =	simm.s32 $0x1BF5;
	[smem:$0x3FB3] =	sst s0  }
0x18: {  	s0 =	sld [smem:$0x3F96];
	_ =	swait.ge [sflag:s4], $0x0  }
0x19: {  	s7 =	sld [smem:$0x3F97]  }
0x1a: {  	s8 =	sadd.s32 $0xFFFFE003, lr  }
0x1b: {  	s9 =	sadd.s32 $0xFFFFFEF7, lr;
	s5 =	simm.s32 $0xFFFFFFFF;
	p2 =	slt.u32 s8, $0xFFFFF086  }
0x1c: {  	p1 =	slt.u32 s9, $0xF7A;
	s5 =	simm.s32 @!p2 $0x0  }
0x1d: {  	s5 =	simm.s32 @p1 $0x1;
	p0 =	seq.s32 s7, s2  }
0x1e: {  	s7 =	smul.u32 @!p0 $0xF7A, s2;
	p2 =	seq.s32 @!p0 s5, $0x0  }
0x1f: {  	s9 =	smul.u32 $0xF7A, s1;
	s8 =	simm.s32 @!p0 $0x1BF5;
	p2 =	por !p2, p0  }
0x20: {  	[sflag:s8] =	ssyncset.s32 @!p0 $0xFFFFF086;
	s6 =	sadd.s32 @!p0 s3, s7;
	s7 =	simm.s32 @!p0 $0x108  }
0x21: {  	s3 =	sadd.s32 s3, s9;
	s6 =	sadd.s32 @!p0 $0x88, s6;
	s7 =	simm.s32 @p2 $0x1082  }
0x22: {  	[simem:s7], [sflag:s8] =	dma.local @!p0 [hbm:s6], $0xF7A  }
0x23: {  	s9 =	sor.u32 $0xD0000000, s2;
	s6 =	simm.s32 $0x108;
	_ =	swait.ge @!p0 [sflag:s8], $0x0  }
0x24: {  	s3 =	sadd.s32 $0x88, s3;
	s6 =	simm.s32 @!p1 $0x1082;
	[sflag:s4] =	ssyncset.s32 $0xFFFFF086  }
0x25: {  	[simem:s6], [sflag:s4] =	dma.local [hbm:s3], $0xF7A  }
0x26: {  	[smem:$0x3F97] =	sst s1;
	(tag) =	ssettag s2;
	_ =	strace s9  }
0x27: {  	s1 =	sld [smem:$0x3FA7]  }
0x28: {  	s2 =	sld [smem:$0x3FA8]  }
0x29: {  	s4 =	sld [smem:$0x3FAA]  }
0x2a: {  	p0 =	seq.s32 s5, $0x0;
	s5 =	sld [smem:$0x3FAB]  }
0x2b: {  	s6 =	sld [smem:$0x3FAC]  }
0x2c: {  	s7 =	sld [smem:$0x3FAD]  }
0x2d: {  	s3 =	simm.s32 $0x108;
	s8 =	sld [smem:$0x3FAE]  }
0x2e: {  	s3 =	simm.s32 @!p0 $0x1082;
	s9 =	sld [smem:$0x3FAF]  }
0x2f: {  	lr =	sadd.s32 s0, s3;
	s0 =	sld [smem:$0x3FA6]  }
0x30: {  	s3 =	sld [smem:$0x3FA9]  }
0x31: {  	[smem:$0x3FB2] =	sst s10  }
0x32: {  	s10 =	sld [smem:$0x3FB0];
	_ =	sdelay $0x3  }
0x33: {  	p0 =	seq.s32 s10, $0x1;
	s10 =	sld [smem:$0x3FB2];
	_ =	sdelay $0x3  }
0x34: {  	[smem:$0x3FB2] =	sst s10  }
0x35: {  	s10 =	sld [smem:$0x3FB1];
	_ =	sdelay $0x3  }
0x36: {  	p1 =	seq.s32 s10, $0x1;
	s10 =	sld [smem:$0x3FB2];
	_ =	sdelay $0x3  }
0x37: {  	[smem:$0x3FB2] =	sst s10  }
0x38: {  	s10 =	sld [smem:$0x3FB3]  }
0x39: {  	_ = 	snop;
	(pc) =	sbr.ind lr, $3  }
0x3a: {  	_ = 	snop  }
0x3b: {  	_ = 	snop  }
0x3c: {  	p2 =	seq.s32 s10, $0x1;
	s10 =	sld [smem:$0x3FB2]  }
0x3d: {  	_ =	shalt  }
0x3e: {  	_ =	shalt  }
0x3f: {  	_ =	shalt  }
0x40: {  	_ =	shalt  }
0x41: {  	_ =	shalt  }
0x42: {  	_ =	shalt  }
0x43: {  	_ =	shalt  }
0x44: {  	_ =	shalt  }
0x45: {  	_ =	shalt  }
0x46: {  	_ =	shalt  }
0x47: {  	_ =	shalt  }
0x48: {  	_ =	shalt  }
0x49: {  	_ =	shalt  }
0x4a: {  	_ =	shalt  }
0x4b: {  	_ =	shalt  }
0x4c: {  	_ =	shalt  }
0x4d: {  	_ =	shalt  }
0x4e: {  	_ =	shalt  }
0x4f: {  	_ =	shalt  }
0x50: {  	_ =	shalt  }
0x51: {  	_ =	shalt  }
0x52: {  	_ =	shalt  }
0x53: {  	_ =	shalt  }
0x54: {  	_ =	shalt  }
0x55: {  	_ =	shalt  }
0x56: {  	_ =	shalt  }
0x57: {  	_ =	shalt  }
0x58: {  	_ =	shalt  }
0x59: {  	_ =	shalt  }
0x5a: {  	_ =	shalt  }
0x5b: {  	_ =	shalt  }
0x5c: {  	_ =	shalt  }
0x5d: {  	_ =	shalt  }
0x5e: {  	_ =	shalt  }
0x5f: {  	_ =	shalt  }
0x60: {  	_ =	shalt  }
0x61: {  	_ =	shalt  }
0x62: {  	_ =	shalt  }
0x63: {  	_ =	shalt  }
0x64: {  	_ =	shalt  }
0x65: {  	_ =	shalt  }
0x66: {  	_ =	shalt  }
0x67: {  	_ =	shalt  }
0x68: {  	_ =	shalt  }
0x69: {  	_ =	shalt  }
0x6a: {  	_ =	shalt  }
0x6b: {  	_ =	shalt  }
0x6c: {  	_ =	shalt  }
0x6d: {  	_ =	shalt  }
0x6e: {  	_ =	shalt  }
0x6f: {  	_ =	shalt  }
0x70: {  	_ =	shalt  }
0x71: {  	_ =	shalt  }
0x72: {  	_ =	shalt  }
0x73: {  	_ =	shalt  }
0x74: {  	_ =	shalt  }
0x75: {  	_ =	shalt  }
0x76: {  	_ =	shalt  }
0x77: {  	_ =	shalt  }
0x78: {  	_ =	shalt  }
0x79: {  	_ =	shalt  }
0x7a: {  	_ =	shalt  }
0x7b: {  	_ =	shalt  }
0x7c: {  	_ =	shalt  }
0x7d: {  	_ =	shalt  }
0x7e: {  	_ =	shalt  }
0x7f: {  	_ =	shalt  }
0x80: {  	_ =	shalt  }
0x81: {  	_ =	shalt  }
0x82: {  	_ =	shalt  }
0x83: {  	_ =	shalt  }
0x84: {  	_ =	shalt  }
0x85: {  	_ =	shalt  }
0x86: {  	_ =	shalt  }
0x87: {  	_ =	shalt  }
.Lfunc_end0:
.L_simem_size_0:
called_computation.1_lowered:
.L_overlay_start_0:
0x88: {  	s2 =	sld [smem:$0x3FD9]  }
0x89: {  	s3 =	sld [smem:$0x3FFE];
	_ =	sdelay $0x1  }
0x8a: {  	s1 =	srdreg.scid  }
0x8b: {  	s0 =	sand.u32 $0x1, s1  }
0x8c: {  	s16 =	sshll.u32 s0, $0xA;
	s2 =	sadd.s32 s3, s2  }
0x8d: {  	s2 =	sadd.s32 s2, s16  }
0x8e: {  	[smem:$0x3FBE] =	sst s2  }
0x8f: {  	_ = 	snop  }
0x90: {  	(tm) =	ssettm $0x1  }
0x91: {  	s17 =	sld [smem:$0x3FFB];
	_ =	sdelay $0x3  }
0x92: {  	_ =	strace s17  }
0x93: {  	s2 =	sld [smem:$0x3FFC];
	_ =	sdelay $0x3  }
0x94: {  	_ =	strace s2  }
0x95: {  	s2 =	sld [smem:$0x3FFD];
	_ =	sdelay $0x3  }
0x96: {  	_ =	strace s2  }
0x97: {  	_ =	strace $0x8FFFFFFF  }
0x98: {  	s18 =	sld [smem:$0x3FDB];
	_ =	sdelay $0x1  }
0x99: {  	s19 =	simm.s32 $_scs_section_size  }
0x9a: {  	s4 =	simm.s32 $_size__tile_overlayer_lowered;
	s5 =	simm.s32 $_tile_overlayer_lowered  }
0x9b: {  	s22 =	simm.s32 $0x1BFF;
	s21 =	sshll.u32 s5, $0x1;
	s2 =	sadd.s32 s19, s18  }
0x9c: {  	s6 =	simm.s32 $0x0;
	s20 =	sshll.u32 s4, $0x1;
	s4 =	sadd.s32 s21, s2  }
0x9d: {  	[timem:s6], [sflag:s22] =	dma.local [hbm:s4], s20  }
0x9e: {  	_ =	swait.ge [sflag:s22], s20  }
0x9f: {  	s3 =	ssub.s32 $0x0, s20;
	[sflag:s22] =	ssyncset.done $0x0  }
0xa0: {  	[sflag:s22] =	ssyncadd.s32 s3;
	_ =	sdelay $0x1  }
0xa1: {  	s23 =	simm.s32 $0x1B8B  }
0xa2: {  	_ =	swait.ge [sflag:s23], $0x1  }
0xa3: {  	[sflag:s23] =	ssyncset.done $0x0  }
0xa4: {  	s25 =	simm.s32 $0x1B8E;
	s24 =	sld [smem:$0x3FFE];
	[sflag:s23] =	ssyncadd.s32 $0xFFFFFFFF  }
0xa5: {  	s26 =	simm.s32 $execute0_lowered;
	[smem:$0x3FD2] =	sst s25  }
0xa6: {  	s4 =	sshll.u32 s26, $0x1;
	_ =	strace $0x80000049;
	[dreg:$0x1] =	wrdreg $0xFFFFFFFF  }
0xa7: {  	s28 =	simm.s32 $_size_execute0_lowered;
	s2 =	sadd.s32 s2, s4;
	[dreg:$0x0] =	wrdreg $0x0  }
0xa8: {  	s4 =	sshll.u32 s28, $0x1;
	[dreg:$0x2] =	wrdreg s2  }
0xa9: {  	[dreg:$0x3] =	wrdreg s4  }
0xaa: {  	[dreg:$0x4] =	wrdreg $0xC0  }
0xab: {  	_ =	task [dreg:s6], $0x5FFFF  }
0xac: {  	[dreg:$0x1] =	wrdreg $0xFFFFFFFF  }
0xad: {  	[dreg:$0x0] =	wrdreg $0x60  }
0xae: {  	[dreg:$0x2] =	wrdreg s24  }
0xaf: {  	[dreg:$0x3] =	wrdreg $0x9  }
0xb0: {  	_ =	task.clear_ibuf [dreg:s6], $0x4FFFF;
	_ =	strace $0x90000049  }
0xb1: {  	s29 =	simm.s32 $0x9;
	_ =	strace $0x8000004B  }
0xb2: {  	_ =	swait.ge [sflag:s29], $0x1  }
0xb3: {  	[sflag:s29] =	ssyncadd.s32 $0xFFFFFFFF  }
0xb4: {  	_ =	strace $0x9000004B  }
0xb5: {  	_ =	sfence  }
0xb6: {  	s30 =	sld [smem:$0x0];
	_ =	sdelay $0x2  }
0xb7: {  	s31 =	sshll.u32 s1, $0xD;
	s1 =	sshrl.u32 s1, $0x2  }
0xb8: {  	s3 =	sand.u32 $0x4000, s31;
	s1 =	sadd.s32 s1, s30  }
0xb9: {  	s0 =	sor.u32 s3, s0;
	s1 =	sshll.u32 s1, $0x11  }
0xba: {  	s0 =	sor.u32 s1, s0  }
0xbb: {  	s0 =	sadd.s32 $0x8F2B, s0  }
0xbc: {  	[sflag:s0] =	ssyncadd.remote.s32 $0x1  }
0xbd: {  	_ =	sfence.sel $0xFFFF  }
0xbe: {  	[dreg:$0x0] =	wrdreg $0xFFFFFFFF;
	(pc) =	sbr.abs _section_cstart, $3  }
0xbf: {  	[dreg:$0x1] =	wrdreg $0xFFFFFFFF  }
0xc0: {  	_ =	task.clear_ibuf [dreg:s6], $0x2FFFF;
	_ =	strace $0x9FFFFFFF  }
0xc1: {  	(tm) =	ssettm $0x7FFFFFFF  }
tec
execute0_lowered:
.L_overlay_start_1:
0x0: {  	(tag) =	ssettag $0x1  }
0x1: {  	s1 =	srdreg.scid;
	s0 =	stileid.u32  }
0x2: {  	s4 =	rddreg [dreg:$0x0];
	s10 =	simm.s32 $0x4F00;
	s12 =	simm.s32 $0x80  }
0x3: {  	s13 =	simm.s32 $0x400;
	s14 =	simm.s32 $0x0;
	s3 =	sand.u32 $0x1, s1  }
0x4: {  	s2 =	sshll.u32 s0, $0x1;
	s1 =	rddreg [dreg:$0x1];
	s5 =	sshrl.u32 s0, $0x2  }
0x5: {  	s11 =	sor.u32 s3, s2;
	s2 =	simm.s32 $0x0;
	s5 =	smul.u32 $0x13C00, s5  }
0x6: {  	s31 =	ssub.s32 $0x2, s3;
	s3 =	sadd.s32 $0x14800, s4;
	s6 =	sshll.u32 s11, $0x7  }
0x7: {  	[smem:$0x7FF] =	sst s2;
	s7 =	smul.u32 $0x4E2, s11;
	s6 =	sand.u32 $0x380, s6  }
0x8: {  	s8 =	sshrl.u32 s31, $0x1;
	p0 =	seq.s32 s11, $0x0;
	s5 =	sor.u32 s5, s6  }
0x9: {  	s11 =	simm.s32 $0x7680;
	_ =	strace $0x8000004A;
	s5 =	sshrl.u32 s5, $0x3  }
0xa: {  	s8 =	ssub.s32 s31, s8;
	s7 =	sadd.s32 s7, s4;
	s9 =	sadd.s32 s5, s4  }
0xb: {  	s4 =	sadd.s32 $0xAA00, s7;
	s5 =	sadd.s32 $0xC00, s7;
	s7 =	smax.u32 s8, $0x1  }
0xc: {  	s8 =	simm.s32 $0x1;
	s6 =	sadd.s32 $0x14E00, s9;
	s9 =	simm.s32 $0x2780  }
.LBB2_1:
0xd: {  	[tilespmem:s2], [sflag:$0x1] =	stream.linear.gather [hbm4b:s4+s2], $0x2710, $0x38;
	[tilespmem:$0x9E00] =	vst v63  }
0xe: {  	_ =	swait.ge [sflag:s8], $0x2710  }
0xf: {  	[sflag:s8] =	ssyncset.done $0x0  }
0x10: {  	[sflag:s8] =	ssyncadd.s32 $0xFFFFD8F0  }
0x11: {  	[tilespmem:s9], [sflag:$0x1] =	stream.linear.gather [hbm4b:s5+s2], $0x2710, $0x38;
	[tilespmem:$0x9E00] =	vst v63  }
0x12: {  	_ =	swait.ge [sflag:s8], $0x2710  }
0x13: {  	[sflag:s8] =	ssyncset.done $0x0  }
0x14: {  	[sflag:s8] =	ssyncadd.s32 $0xFFFFD8F0  }
0x15: {  	[tilespmem:s10], [sflag:$0x1] =	stream.linear.gather [hbm4b:s3+s2], $0x2780, $0x38;
	[tilespmem:$0x9E00] =	vst v63  }
0x16: {  	_ =	swait.ge [sflag:s8], $0x2780  }
0x17: {  	[sflag:s8] =	ssyncset.done $0x0  }
0x18: {  	s15 =	simm.s32 $0x4F40;
	[sflag:s8] =	ssyncadd.s32 $0xFFFFD880  }
0x19: {  	v1 =	vld [tilespmem:s15+$0x30]  }
0x1a: {  	v3 =	vld [tilespmem:s15+$0xFFFFFFD0]  }
0x1b: {  	v5 =	vld [tilespmem:s15+$0xFFFFFFE0]  }
0x1c: {  	v4 =	vld [tilespmem:s15+$0xFFFFFFF0]  }
0x1d: {  	v2 =	vld [tilespmem:s15+$0x0]  }
0x1e: {  	v0 =	vld [tilespmem:s15+$0x10];
	v7 =	vmul.f32 v1, v1  }
0x1f: {  	v1 =	vld [tilespmem:s15+$0x20];
	v6 =	vmul.f32 v3, v3  }
0x20: {  	s17 =	simm.s32 $0x76C0;
	s18 =	simm.s32 $0x0;
	s19 =	simm.s32 $0x4FC0;
	v3 =	vld [tilespmem:s15+$0xFFFFFFC0];
	v5 =	vmul.f32 v5, v5;
	v7 =	vpsel !p0, $0x0, v7  }
.LBB2_2:
0x21: {  	v8 =	vld [tilespmem:s19+$0x30];
	s18 =	sadd.s32 $0x8, s18;
	v6 =	vpsel !p0, $0x0, v6;
	v4 =	vmul.f32 v4, v4;
	[tilespmem:s17+$0x30] =	vst v7;
	s16 =	simm.s32 $0x40;
	s15 =	simm.s32 $0x27C0  }
0x22: {  	v7 =	vld [tilespmem:s19+$0xFFFFFFD0];
	p1 =	slt.u32 s18, $0x270;
	[tilespmem:s17+$0xFFFFFFD0] =	vst v6;
	v5 =	vpsel !p0, $0x0, v5;
	v2 =	vmul.f32 v2, v2  }
0x23: {  	v9 =	vld [tilespmem:s19+$0xFFFFFFE0];
	[tilespmem:s17+$0xFFFFFFE0] =	vst v5;
	v5 =	vpsel !p0, $0x0, v4;
	v0 =	vmul.f32 v0, v0  }
.Ltmp0:
0x24: {  	v4 =	vld [tilespmem:s19+$0xFFFFFFF0];
	[tilespmem:s17+$0xFFFFFFF0] =	vst v5;
	v5 =	vpsel !p0, $0x0, v2;
	v1 =	vmul.f32 v1, v1;
	(pc) =	sbr.rel @p1 .LBB2_2-.Ltmp0, $4  }
0x25: {  	v2 =	vld [tilespmem:s19+$0x0];
	v3 =	vmul.f32 v3, v3;
	[tilespmem:s17+$0x0] =	vst v5;
	v5 =	vpsel !p0, $0x0, v0  }
0x26: {  	v0 =	vld [tilespmem:s19+$0x10];
	v8 =	vmul.f32 v8, v8;
	[tilespmem:s17+$0x10] =	vst v5;
	v5 =	vpsel !p0, $0x0, v1  }
0x27: {  	v6 =	vmul.f32 v7, v7;
	v1 =	vld [tilespmem:s19+$0x20];
	v10 =	vpsel !p0, $0x0, v3;
	[tilespmem:s17+$0x20] =	vst v5  }
0x28: {  	v3 =	vld [tilespmem:s19+$0xFFFFFFC0];
	v5 =	vmul.f32 v9, v9;
	v7 =	vpsel !p0, $0x0, v8;
	s19 =	sadd.s32 $0x80, s19;
	[tilespmem:s17+$0xFFFFFFC0] =	vst v10;
	s17 =	sadd.s32 $0x80, s17  }
0x29: {  	v6 =	vpsel !p0, $0x0, v6;
	v4 =	vmul.f32 v4, v4;
	[tilespmem:s17+$0x30] =	vst v7  }
0x2a: {  	[tilespmem:s17+$0xFFFFFFD0] =	vst v6;
	v5 =	vpsel !p0, $0x0, v5;
	v2 =	vmul.f32 v2, v2  }
0x2b: {  	[tilespmem:s17+$0xFFFFFFE0] =	vst v5;
	v4 =	vpsel !p0, $0x0, v4;
	v0 =	vmul.f32 v0, v0  }
0x2c: {  	[tilespmem:s17+$0xFFFFFFF0] =	vst v4;
	v2 =	vpsel !p0, $0x0, v2;
	v1 =	vmul.f32 v1, v1  }
0x2d: {  	v3 =	vmul.f32 v3, v3;
	[tilespmem:s17+$0x0] =	vst v2;
	v0 =	vpsel !p0, $0x0, v0  }
0x2e: {  	[tilespmem:s17+$0x10] =	vst v0;
	v0 =	vpsel !p0, $0x0, v1  }
0x2f: {  	v1 =	vpsel !p0, $0x0, v3;
	[tilespmem:s17+$0x20] =	vst v0  }
0x30: {  	[tilespmem:s17+$0xFFFFFFC0] =	vst v1  }
0x31: {  	v1 =	vld [tilespmem:s16+$0x30]  }
0x32: {  	v0 =	vld [tilespmem:s15+$0x30]  }
0x33: {  	v2 =	vld [tilespmem:s15+$0xFFFFFFC0]  }
0x34: {  	v3 =	vld [tilespmem:s16+$0xFFFFFFD0]  }
0x35: {  	v4 =	vld [tilespmem:s15+$0xFFFFFFD0]  }
0x36: {  	v5 =	vld [tilespmem:s16+$0xFFFFFFE0]  }
0x37: {  	v6 =	vld [tilespmem:s15+$0xFFFFFFE0]  }
0x38: {  	v7 =	vld [tilespmem:s16+$0xFFFFFFF0]  }
0x39: {  	v10 =	vld [tilespmem:s15+$0xFFFFFFF0]  }
0x3a: {  	v11 =	vld [tilespmem:s16+$0x0]  }
0x3b: {  	v12 =	vld [tilespmem:s15+$0x0]  }
0x3c: {  	v8 =	vld.idx.msk [tilespmem:v1+s10+$0x0], $0xffff  }
0x3d: {  	v9 =	vld.idx.msk [tilespmem:v0+s10+$0x0], $0xffff  }
0x3e: {  	v13 =	vld [tilespmem:s16+$0x10]  }
0x3f: {  	v14 =	vld [tilespmem:s15+$0x10]  }
0x40: {  	v61 =	vld [tilespmem:s15+$0x20]  }
0x41: {  	v0 =	vld [tilespmem:s16+$0x20]  }
0x42: {  	v2 =	vld.idx.msk [tilespmem:v2+s10+$0x0], $0xffff;
	v8 =	vmul.f32 v9, v8  }
0x43: {  	v62 =	vld.idx.msk [tilespmem:v3+s10+$0x0], $0xffff  }
0x44: {  	[tilespmem:v1+s11+$0x0] =	vst.idx.add.f32.msk $0xffff, v8  }
0x45: {  	v1 =	vld [tilespmem:s16+$0xFFFFFFC0]  }
0x46: {  	v4 =	vld.idx.msk [tilespmem:v4+s10+$0x0], $0xffff  }
0x47: {  	v15 =	vld.idx.msk [tilespmem:v5+s10+$0x0], $0xffff  }
0x48: {  	v6 =	vld.idx.msk [tilespmem:v6+s10+$0x0], $0xffff  }
0x49: {  	v16 =	vld.idx.msk [tilespmem:v7+s10+$0x0], $0xffff  }
0x4a: {  	v10 =	vld.idx.msk [tilespmem:v10+s10+$0x0], $0xffff  }
0x4b: {  	v18 =	vld.idx.msk [tilespmem:v11+s10+$0x0], $0xffff  }
0x4c: {  	v12 =	vld.idx.msk [tilespmem:v12+s10+$0x0], $0xffff  }
0x4d: {  	v17 =	vld.idx.msk [tilespmem:v1+s10+$0x0], $0xffff  }
0x4e: {  	v19 =	vld.idx.msk [tilespmem:v13+s10+$0x0], $0xffff  }
0x4f: {  	v14 =	vld.idx.msk [tilespmem:v14+s10+$0x0], $0xffff  }
0x50: {  	v4 =	vmul.f32 v4, v62;
	v9 =	vld.idx.msk [tilespmem:v61+s10+$0x0], $0xffff  }
0x51: {  	v6 =	vmul.f32 v6, v15;
	v63 =	vld.idx.msk [tilespmem:v0+s10+$0x0], $0xffff  }
0x52: {  	[tilespmem:v3+s11+$0x0] =	vst.idx.add.f32.msk $0xffff, v4;
	v2 =	vmul.f32 v2, v17  }
0x53: {  	v3 =	vmul.f32 v10, v16;
	[tilespmem:v5+s11+$0x0] =	vst.idx.add.f32.msk $0xffff, v6  }
0x54: {  	[tilespmem:v1+s11+$0x0] =	vst.idx.add.f32.msk $0xffff, v2;
	v1 =	vmul.f32 v12, v18  }
0x55: {  	[tilespmem:v7+s11+$0x0] =	vst.idx.add.f32.msk $0xffff, v3;
	v2 =	vmul.f32 v14, v19  }
0x56: {  	[tilespmem:v11+s11+$0x0] =	vst.idx.add.f32.msk $0xffff, v1;
	v1 =	vmul.f32 v9, v63  }
0x57: {  	s17 =	simm.s32 $0xC0;
	s16 =	simm.s32 $0x0;
	[tilespmem:v13+s11+$0x0] =	vst.idx.add.f32.msk $0xffff, v2  }
.LBB2_4:
0x58: {  	v2 =	vld [tilespmem:s17+$0x30];
	s15 =	sadd.s32 $0x80, s15;
	v3 =	vmov v1  }
0x59: {  	s16 =	sadd.s32 $0x8, s16;
	v1 =	vld [tilespmem:s15+$0x30]  }
0x5a: {  	p1 =	slt.u32 s16, $0x268;
	v4 =	vld [tilespmem:s15+$0xFFFFFFC0]  }
0x5b: {  	v5 =	vld [tilespmem:s17+$0xFFFFFFD0]  }
0x5c: {  	v6 =	vld [tilespmem:s15+$0xFFFFFFD0]  }
0x5d: {  	v7 =	vld [tilespmem:s17+$0xFFFFFFE0]  }
0x5e: {  	v8 =	vld [tilespmem:s15+$0xFFFFFFE0]  }
0x5f: {  	v9 =	vld [tilespmem:s17+$0xFFFFFFF0]  }
0x60: {  	v10 =	vld.idx.msk [tilespmem:v2+s10+$0x0], $0xffff  }
0x61: {  	v1 =	vld.idx.msk [tilespmem:v1+s10+$0x0], $0xffff  }
0x62: {  	v11 =	vld [tilespmem:s15+$0xFFFFFFF0]  }
0x63: {  	v12 =	vld [tilespmem:s17+$0x0]  }
0x64: {  	v13 =	vld [tilespmem:s15+$0x0]  }
0x65: {  	v14 =	vld [tilespmem:s17+$0x10]  }
0x66: {  	v15 =	vld [tilespmem:s15+$0x10]  }
0x67: {  	v1 =	vmul.f32 v1, v10;
	v16 =	vld [tilespmem:s17+$0x20]  }
0x68: {  	v10 =	vld [tilespmem:s15+$0x20]  }
0x69: {  	[tilespmem:v2+s11+$0x0] =	vst.idx.add.f32.msk $0xffff, v1  }
0x6a: {  	v1 =	vld [tilespmem:s17+$0xFFFFFFC0]  }
0x6b: {  	v2 =	vld.idx.msk [tilespmem:v4+s10+$0x0], $0xffff  }
0x6c: {  	v4 =	vld.idx.msk [tilespmem:v5+s10+$0x0], $0xffff  }
0x6d: {  	v6 =	vld.idx.msk [tilespmem:v6+s10+$0x0], $0xffff  }
0x6e: {  	v17 =	vld.idx.msk [tilespmem:v7+s10+$0x0], $0xffff  }
0x6f: {  	v8 =	vld.idx.msk [tilespmem:v8+s10+$0x0], $0xffff  }
0x70: {  	v18 =	vld.idx.msk [tilespmem:v9+s10+$0x0], $0xffff  }
0x71: {  	v11 =	vld.idx.msk [tilespmem:v11+s10+$0x0], $0xffff  }
0x72: {  	v19 =	vld.idx.msk [tilespmem:v1+s10+$0x0], $0xffff  }
0x73: {  	v4 =	vmul.f32 v6, v4;
	v6 =	vld.idx.msk [tilespmem:v12+s10+$0x0], $0xffff  }
0x74: {  	v13 =	vld.idx.msk [tilespmem:v13+s10+$0x0], $0xffff  }
0x75: {  	v8 =	vmul.f32 v8, v17;
	v17 =	vld.idx.msk [tilespmem:v14+s10+$0x0], $0xffff  }
0x76: {  	v15 =	vld.idx.msk [tilespmem:v15+s10+$0x0], $0xffff  }
0x77: {  	v11 =	vmul.f32 v11, v18;
	v18 =	vld.idx.msk [tilespmem:v16+s10+$0x0], $0xffff  }
0x78: {  	v2 =	vmul.f32 v2, v19;
	v10 =	vld.idx.msk [tilespmem:v10+s10+$0x0], $0xffff  }
0x79: {  	[tilespmem:v5+s11+$0x0] =	vst.idx.add.f32.msk $0xffff, v4  }
0x7a: {  	[tilespmem:v1+s11+$0x0] =	vst.idx.add.f32.msk $0xffff, v2;
	v1 =	vmul.f32 v13, v6  }
.Ltmp1:
0x7b: {  	[tilespmem:v7+s11+$0x0] =	vst.idx.add.f32.msk $0xffff, v8;
	(pc) =	sbr.rel @p1 .LBB2_4-.Ltmp1, $4  }
0x7c: {  	v2 =	vmul.f32 v15, v17;
	[tilespmem:v9+s11+$0x0] =	vst.idx.add.f32.msk $0xffff, v11  }
0x7d: {  	[tilespmem:v12+s11+$0x0] =	vst.idx.add.f32.msk $0xffff, v1  }
0x7e: {  	v1 =	vmul.f32 v10, v18;
	[tilespmem:v14+s11+$0x0] =	vst.idx.add.f32.msk $0xffff, v2  }
0x7f: {  	s17 =	sadd.s32 $0x80, s17;
	[tilespmem:v0+s11+$0x0] =	vst.idx.add.f32.msk $0xffff, v3;
	v0 =	vmov v16  }
0x80: {  	_ =	sdelay $0x3  }
0x81: {  	[tilespmem:v0+s11+$0x0] =	vst.idx.add.f32.msk $0xffff, v1  }
0x82: {  	v0 =	vld [tilespmem:$0x2700]  }
0x83: {  	v1 =	vld [tilespmem:$0x4E80];
	_ =	sdelay $0x6  }
0x84: {  	v2 =	vld.idx.msk [tilespmem:v0+s10+$0x0], $0xffff  }
0x85: {  	v1 =	vld.idx.msk [tilespmem:v1+s10+$0x0], $0xffff;
	_ =	sdelay $0x4  }
0x86: {  	s14 =	sadd.s32 $0x1, s14;
	v1 =	vmul.f32 v1, v2  }
0x87: {  	p1 =	sne.s32 s14, s7  }
.Ltmp2:
0x88: {  	[tilespmem:v0+s11+$0x0] =	vst.idx.add.f32.msk $0xffff, v1;
	(pc) =	sbr.rel @p1 .LBB2_1-.Ltmp2, $4  }
0x89: {  	[hbm4b:s6+s12] =	stream.strided.scatter [tilespmem:s11], [sflag:$0x1], $0x2780, s13, s12, $0x38;
	[tilespmem:$0x9E00] =	vst v63  }
0x8a: {  	_ =	swait.ge [sflag:s8], $0x2780  }
0x8b: {  	[sflag:s8] =	ssyncset.done $0x0  }
0x8c: {  	[sflag:s8] =	ssyncadd.s32 $0xFFFFD880  }
0x8d: {  	_ =	sfence.sel $0x180000  }
0x8e: {  	[bflag:$0x0] =	sbarrier.arrive $0xFFFF  }
0x8f: {  	p0 =	sne.s32 s0, $0x0;
	_ =	strace $0x9000004A  }
0x90: {  	s0 =	sadd.s32 @!p0 $0x100000, s1;
	[bflag:$0x2] =	sbarrier.arrive $0xFFFF  }
0x91: {  	[sflag:s0] =	ssyncadd.tile.s32 @!p0 $0x1;
	_ =	shalt  }
.Lfunc_end2:
_tile_overlayer_lowered:
.L_overlay_start_2:
0x92: {  	(tag) =	ssettag $0x2  }
0x93: {  	s0 =	rddreg [dreg:$0x0];
	s2 =	stileid.u32  }
0x94: {  	s1 =	rddreg [dreg:$0x1];
	p0 =	sne.s32 s2, $0x0  }
0x95: {  	s3 =	rddreg [dreg:$0x2];
	[bflag:$0x3] =	sbarrier.arrive $0xFFFF;
	s2 =	simm.s32 @!p0 $0x1C01  }
0x96: {  	[timem:s3], [sflag:s2] =	dma.local @!p0 [hbm:s0], s1  }
0x97: {  	s0 =	simm.s32 @!p0 $0x1  }
0x98: {  	_ =	swait.ge @!p0 [sflag:s0], s1  }
0x99: {  	s1 =	ssub.s32 @!p0 $0x0, s1;
	[sflag:s0] =	ssyncset.done @!p0 $0x0  }
0x9a: {  	[sflag:s0] =	ssyncadd.s32 @!p0 s1  }
0x9b: {  	[bflag:$0x3] =	sbarrier.arrive $0xFFFF  }
0x9c: {  	_ =	shalt  }

</sc_bundles>
